<compile_context>
chip_gen: v7x
topology: tpu7x:2x2x1
jax: 0.10.2.dev20260603
libtpu: 0.0.44.dev20260713+nightly
codegen_flags: <defaults>
</compile_context>

<pallas_src>
import functools

import jax
import jax.numpy as jnp
from jax import lax
from jax.experimental import pallas as pl
from jax.experimental.pallas import tpu as pltpu
from jax.experimental.pallas import tpu_sc as plsc

_NC = 2
_NS = 16
_NW = _NC * _NS
_L = 16

_K = 2000
_D = 8


def _newton_rsqrt(x):
    i = plsc.bitcast(x, jnp.int32)
    i = jnp.int32(0x5F3759DF) - (i >> 1)
    y = plsc.bitcast(i, jnp.float32)
    xh = x * 0.5
    for _ in range(2):
        y = y * (1.5 - xh * y * y)
    return y


_KD = 6400


def _build_detile(E):
    n_chunks = E // _KD
    assert E % _KD == 0
    n_iter = -(-n_chunks // _NW)
    if n_iter % 2:
        n_iter += 1
    mesh = plsc.VectorSubcoreMesh(core_axis_name="c", subcore_axis_name="s",
                                  num_cores=_NC, num_subcores=_NS)

    @functools.partial(
        pl.kernel,
        mesh=mesh,
        out_type=jax.ShapeDtypeStruct((2 * E,), jnp.int32),
        scratch_types=[
            [pltpu.VMEM((2, _KD), jnp.int32) for _ in range(2)],
            [pltpu.SemaphoreType.DMA for _ in range(2)],
            [pltpu.SemaphoreType.DMA for _ in range(2)],
        ],
    )
    def detile_kernel(edge_hbm, ef_hbm, bufs, sem_in, sem_out):
        wid = lax.axis_index("s") * _NC + lax.axis_index("c")
        last = n_chunks - 1

        def cid(j):
            return jnp.minimum(wid + _NW * j, last)

        def fire_in(p, c):
            pltpu.async_copy(edge_hbm.at[:, pl.ds(c * _KD, _KD)], bufs[p],
                             sem_in[p])

        def wait_in(p):
            pltpu.make_async_copy(edge_hbm.at[:, pl.ds(0, _KD)], bufs[p],
                                  sem_in[p]).wait()

        def fire_out(p, c):
            gb = c * _KD
            pltpu.async_copy(bufs[p].at[0], ef_hbm.at[pl.ds(gb, _KD)],
                             sem_out[p])
            pltpu.async_copy(bufs[p].at[1], ef_hbm.at[pl.ds(E + gb, _KD)],
                             sem_out[p])

        def wait_out(p):
            pltpu.make_async_copy(bufs[p].at[0], ef_hbm.at[pl.ds(0, _KD)],
                                  sem_out[p]).wait()
            pltpu.make_async_copy(bufs[p].at[1], ef_hbm.at[pl.ds(0, _KD)],
                                  sem_out[p]).wait()

        fire_in(0, cid(0))
        fire_in(1, cid(1))

        def body(t, carry):
            wait_in(0)
            fire_out(0, cid(2 * t))
            wait_in(1)
            fire_out(1, cid(2 * t + 1))
            wait_out(0)
            fire_in(0, cid(2 * t + 2))
            wait_out(1)
            fire_in(1, cid(2 * t + 3))
            return carry

        lax.fori_loop(0, n_iter // 2, body, 0)
        wait_in(0)
        wait_in(1)

    return detile_kernel


def _build(E):
    per_w = E // _NW
    n_chunks = per_w // _K
    assert per_w % _K == 0 and _K % _L == 0 and n_chunks % 2 == 0
    mesh = plsc.VectorSubcoreMesh(core_axis_name="c", subcore_axis_name="s",
                                  num_cores=_NC, num_subcores=_NS)

    @functools.partial(
        pl.kernel,
        mesh=mesh,
        compiler_params=pltpu.CompilerParams(needs_layout_passes=False,
                                             use_tc_tiling_on_sc=False),
        out_type=(
            jax.ShapeDtypeStruct((E,), jnp.float32),
            jax.ShapeDtypeStruct((E,), jnp.float32),
            jax.ShapeDtypeStruct((E,), jnp.float32),
            jax.ShapeDtypeStruct((E,), jnp.float32),
        ),
        scratch_types=[
            pltpu.VMEM((3, _L), jnp.float32),
            [pltpu.VMEM((_K,), jnp.int32) for _ in range(2)],
            [pltpu.VMEM((_K,), jnp.int32) for _ in range(2)],
            [pltpu.VMEM((_K, _D), jnp.float32) for _ in range(2)],
            [pltpu.VMEM((_K, _D), jnp.float32) for _ in range(2)],
            [pltpu.VMEM((_K,), jnp.float32) for _ in range(2)],
            [[pltpu.VMEM((_K,), jnp.float32) for _ in range(3)]
             for _ in range(2)],
            [pltpu.SemaphoreType.DMA for _ in range(2)],
            [pltpu.SemaphoreType.DMA for _ in range(2)],
            [pltpu.SemaphoreType.DMA for _ in range(2)],
        ],
    )
    def dist_kernel(xyz8_hbm, ef_hbm, cell_hbm,
                    dis_hbm, ox_hbm, oy_hbm, oz_hbm,
                    cell_v, idx_s, idx_d, s_rows, d_rows, dis_v, o_comp,
                    sem_idx, sem_g, sem_out):
        o_hbm = (ox_hbm, oy_hbm, oz_hbm)
        wid = lax.axis_index("s") * _NC + lax.axis_index("c")
        base = wid * per_w

        pltpu.sync_copy(cell_hbm, cell_v)
        cell_c = (cell_v[0], cell_v[1], cell_v[2])
        iota = lax.iota(jnp.int32, _L)
        comp_i = tuple(jnp.full((_L,), k, jnp.int32) for k in range(3))

        def fire_idx(p, c):
            gb = base + c * _K
            pltpu.async_copy(ef_hbm.at[pl.ds(gb, _K)], idx_s[p], sem_idx[p])
            pltpu.async_copy(ef_hbm.at[pl.ds(E + gb, _K)], idx_d[p],
                             sem_idx[p])

        def wait_idx(p):
            pltpu.make_async_copy(ef_hbm.at[pl.ds(0, _K)], idx_s[p],
                                  sem_idx[p]).wait()
            pltpu.make_async_copy(ef_hbm.at[pl.ds(0, _K)], idx_d[p],
                                  sem_idx[p]).wait()

        def fire_gather(p):
            pltpu.async_copy(xyz8_hbm.at[idx_s[p]], s_rows[p], sem_g[p])
            pltpu.async_copy(xyz8_hbm.at[idx_d[p]], d_rows[p], sem_g[p])

        def wait_gather(p):
            pltpu.make_async_copy(xyz8_hbm.at[idx_s[p]], s_rows[p],
                                  sem_g[p]).wait()
            pltpu.make_async_copy(xyz8_hbm.at[idx_d[p]], d_rows[p],
                                  sem_g[p]).wait()

        def fire_out(p, c):
            gb = base + c * _K
            pltpu.async_copy(dis_v[p], dis_hbm.at[pl.ds(gb, _K)], sem_out[p])
            for k in range(3):
                pltpu.async_copy(o_comp[p][k], o_hbm[k].at[pl.ds(gb, _K)],
                                 sem_out[p])

        def wait_out(p):
            pltpu.make_async_copy(dis_v[p], dis_hbm.at[pl.ds(0, _K)],
                                  sem_out[p]).wait()
            for k in range(3):
                pltpu.make_async_copy(o_comp[p][k],
                                      o_hbm[k].at[pl.ds(0, _K)],
                                      sem_out[p]).wait()

        def compute(p):
            def grp(g, carry2):
                row = g * _L + iota
                sumsq = jnp.zeros((_L,), jnp.float32)
                for comp in range(3):
                    s = plsc.load_gather(s_rows[p], [row, comp_i[comp]])
                    d = plsc.load_gather(d_rows[p], [row, comp_i[comp]])
                    dv = s - d
                    adv = jnp.abs(dv)
                    dv2 = jnp.minimum(cell_c[comp] - adv, adv)
                    sb = plsc.bitcast(dv + 1e-8, jnp.int32) & jnp.int32(
                        -2147483648)
                    sb = jnp.where(jnp.abs(dv2) == adv, sb,
                                   sb ^ jnp.int32(-2147483648))
                    out = plsc.bitcast(plsc.bitcast(dv2, jnp.int32) ^ sb,
                                       jnp.float32)
                    o_comp[p][comp][pl.ds(g * _L, _L)] = out
                    sv = dv + 1e-9
                    sumsq = sumsq + sv * sv
                dis_v[p][pl.ds(g * _L, _L)] = sumsq * _newton_rsqrt(sumsq)
                return carry2

            lax.fori_loop(0, _K // _L, grp, 0)

        last = n_chunks - 1

        fire_idx(0, 0)
        fire_idx(1, 1)
        wait_idx(0)
        fire_gather(0)

        def body(t, carry):
            a = 2 * t
            b = 2 * t + 1
            wait_idx(1)
            fire_gather(1)
            wait_gather(0)

            @pl.when(t > 0)
            def _():
                wait_out(0)
            fire_idx(0, jnp.minimum(a + 2, last))
            compute(0)
            fire_out(0, a)
            wait_idx(0)
            fire_gather(0)
            wait_gather(1)

            @pl.when(t > 0)
            def _():
                wait_out(1)
            fire_idx(1, jnp.minimum(b + 2, last))
            compute(1)
            fire_out(1, b)
            return carry

        lax.fori_loop(0, n_chunks // 2, body, 0)

        wait_idx(1)
        wait_gather(0)
        wait_out(0)
        wait_out(1)

    return dist_kernel


@jax.jit
def kernel(xyz, edge_index, cell):
    E = edge_index.shape[1]
    xyz8 = jnp.pad(xyz, ((0, 0), (0, _D - 3)))
    ef = _build_detile(E)(edge_index)
    cell16 = jnp.broadcast_to(cell.reshape(3, 1), (3, _L)).astype(jnp.float32)
    dis, ox, oy, oz = _build(E)(xyz8, ef, cell16)
    return dis, jnp.stack((ox, oy, oz), axis=-1)

# --- scband reference (transcript-rebuilt; emitter-appended) ---
"""Pipeline reference for scband-distance-9216999817567 (READ-ONLY COPY).

The authoritative reference and input builder live on the scoring server;
editing this copy changes nothing except your own understanding.
"""

import jax, jax.numpy as jnp
import numpy as np

N_NODES = 100000
N_EDGES = 6400000


def setup_inputs(seed: int = 0) -> dict:
    key = jax.random.key(seed)
    k1, k2, k3 = jax.random.split(key, 3)
    xyz = jax.random.normal(k1, (N_NODES, 3), dtype=jnp.float32)
    edge_index = jax.random.randint(k2, (2, N_EDGES), 0, N_NODES, dtype=jnp.int32)
    cell = jax.random.uniform(k3, (1, 3), dtype=jnp.float32)
    return {"xyz": xyz, "edge_index": edge_index, "cell": cell}


def reference(xyz, edge_index, cell):
    # dgl F.u_sub_v(g, xyz, xyz): per-edge src feature minus dst feature
    src = edge_index[0]
    dst = edge_index[1]
    dis_vec = jnp.take(xyz, src, axis=0) - jnp.take(xyz, dst, axis=0)  # [E, 3]
    # dgl.broadcast_edges(g, cell): per-graph cell broadcast to every edge
    E = dis_vec.shape[0]
    cell_e = jnp.broadcast_to(cell[:, :3], (E, 3))  # [E, 3]
    abs_dv = jnp.abs(dis_vec)
    # torch.cat([... [:, :, None], ... [:, :, None]], -1).min(-1)[0]
    dis_vec2 = jnp.minimum(cell_e - abs_dv, abs_dv)  # [E, 3]
    mask2 = jnp.where(jnp.abs(dis_vec2) == abs_dv, 1.0, -1.0)
    mask = (dis_vec + 1e-08) / jnp.abs(dis_vec + 1e-08)
    mask = mask2 * mask
    dis = jnp.linalg.norm(dis_vec + 1e-09, axis=-1)  # [E]
    return (dis, dis_vec2 * mask)

if __name__ == "__main__":
    import jax
    _d = setup_inputs()
    print(jax.jit(kernel)(*tuple(_d.values())))

</pallas_src>

<mosaic_0001>
#map = affine_map<(d0, d1) -> (0, 0)>
#map1 = affine_map<(d0, d1) -> (0)>
module attributes {stable_mosaic.version = 14 : i64} {
  func.func @detile_kernel(%arg0: i32, %arg1: i32, %arg2: memref<2x6400000xi32, #tpu.memory_space<hbm>>, %arg3: memref<12800000xi32, #tpu.memory_space<hbm>>, %arg4: memref<2x6400xi32, #tpu.memory_space<vmem>>, %arg5: memref<2x6400xi32, #tpu.memory_space<vmem>>, %arg6: memref<!tpu.dma_semaphore, #tpu.memory_space<semaphore_mem>>, %arg7: memref<!tpu.dma_semaphore, #tpu.memory_space<semaphore_mem>>, %arg8: memref<!tpu.dma_semaphore, #tpu.memory_space<semaphore_mem>>, %arg9: memref<!tpu.dma_semaphore, #tpu.memory_space<semaphore_mem>>) attributes {dimension_semantics = [#tpu.dimension_semantics<core_parallel>, #tpu.dimension_semantics<subcore_parallel>], iteration_bounds = array<i64: 2, 16>, scalar_prefetch = 0 : i64, scratch_operands = 6 : i64, tpu.core_type = #tpu.core_type<sc_vector_subcore>, window_params = [{transform_indices = #map}, {transform_indices = #map1}]} {
    %mul3A = arith.constant 2 : i32
    %mul3A_0 = arith.muli %arg1, %mul3A : i32
    %add3A = arith.addi %mul3A_0, %arg0 : i32
    %add3A_1 = arith.constant 0 : i32
    %add3A_2 = arith.addi %add3A, %add3A_1 : i32
    %min3A = arith.constant 999 : i32
    %min3A_3 = arith.minsi %add3A_2, %min3A : i32
    %mul3A_4 = arith.constant 6400 : i32
    %mul3A_5 = arith.muli %min3A_3, %mul3A_4 : i32
    %dma_start3A = arith.constant 0 : i32
    %dma_start3A_6 = tpu.memref_slice %arg2[%dma_start3A, %mul3A_5] : memref<2x6400000xi32, #tpu.memory_space<hbm>> -> memref<2x6400xi32, #tpu.memory_space<hbm>>
    %dma_start3A_7 = arith.constant 0 : i32
    %dma_start3A_8 = tpu.memref_slice %arg2[%dma_start3A_7, %mul3A_5] : memref<2x6400000xi32, #tpu.memory_space<hbm>> -> memref<2x6400xi32, #tpu.memory_space<hbm>>
    tpu.enqueue_dma source(%dma_start3A_8 : memref<2x6400xi32, #tpu.memory_space<hbm>>) target(%arg4 : memref<2x6400xi32, #tpu.memory_space<vmem>>) target_semaphore(%arg6 : memref<!tpu.dma_semaphore, #tpu.memory_space<semaphore_mem>>)
    %add3A_9 = arith.constant 32 : i32
    %add3A_10 = arith.addi %add3A, %add3A_9 : i32
    %min3A_11 = arith.constant 999 : i32
    %min3A_12 = arith.minsi %add3A_10, %min3A_11 : i32
    %mul3A_13 = arith.constant 6400 : i32
    %mul3A_14 = arith.muli %min3A_12, %mul3A_13 : i32
    %dma_start3A_15 = arith.constant 0 : i32
    %dma_start3A_16 = tpu.memref_slice %arg2[%dma_start3A_15, %mul3A_14] : memref<2x6400000xi32, #tpu.memory_space<hbm>> -> memref<2x6400xi32, #tpu.memory_space<hbm>>
    %dma_start3A_17 = arith.constant 0 : i32
    %dma_start3A_18 = tpu.memref_slice %arg2[%dma_start3A_17, %mul3A_14] : memref<2x6400000xi32, #tpu.memory_space<hbm>> -> memref<2x6400xi32, #tpu.memory_space<hbm>>
    tpu.enqueue_dma source(%dma_start3A_18 : memref<2x6400xi32, #tpu.memory_space<hbm>>) target(%arg5 : memref<2x6400xi32, #tpu.memory_space<vmem>>) target_semaphore(%arg7 : memref<!tpu.dma_semaphore, #tpu.memory_space<semaphore_mem>>)
    %scan3A = arith.constant 0 : i32
    %scan3A_19 = arith.constant 0 : i32
    %scan3A_20 = arith.constant 16 : i32
    %scan3A_21 = arith.addi %scan3A_19, %scan3A_20 : i32
    %scan3A_22 = arith.constant 1 : i32
    scf.for %scan3A_35 = %scan3A_19 to %scan3A_21 step %scan3A_22  : i32 {
      %dma_wait3A_36 = arith.constant 0 : i32
      %dma_wait3A_37 = arith.constant 0 : i32
      %dma_wait3A_38 = tpu.memref_slice %arg2[%dma_wait3A_36, %dma_wait3A_37] : memref<2x6400000xi32, #tpu.memory_space<hbm>> -> memref<2x6400xi32, #tpu.memory_space<hbm>>
      %dma_wait3A_39 = arith.constant 0 : i32
      %dma_wait3A_40 = arith.constant 0 : i32
      %dma_wait3A_41 = tpu.memref_slice %arg2[%dma_wait3A_39, %dma_wait3A_40] : memref<2x6400000xi32, #tpu.memory_space<hbm>> -> memref<2x6400xi32, #tpu.memory_space<hbm>>
      tpu.wait_dma2 semaphore(%arg6 : memref<!tpu.dma_semaphore, #tpu.memory_space<semaphore_mem>>) src(%dma_wait3A_41 : memref<2x6400xi32, #tpu.memory_space<hbm>>) dst(%arg4 : memref<2x6400xi32, #tpu.memory_space<vmem>>)
      %mul3A_42 = arith.constant 2 : i32
      %mul3A_43 = arith.muli %mul3A_42, %scan3A_35 : i32
      %mul3A_44 = arith.constant 32 : i32
      %mul3A_45 = arith.muli %mul3A_44, %mul3A_43 : i32
      %add3A_46 = arith.addi %add3A, %mul3A_45 : i32
      %min3A_47 = arith.constant 999 : i32
      %min3A_48 = arith.minsi %add3A_46, %min3A_47 : i32
      %mul3A_49 = arith.constant 6400 : i32
      %mul3A_50 = arith.muli %min3A_48, %mul3A_49 : i32
      %dma_start3A_51 = arith.constant 0 : i32
      %dma_start3A_52 = arith.constant 0 : i32
      %dma_start3A_53 = tpu.memref_slice %arg4[%dma_start3A_51, %dma_start3A_52] : memref<2x6400xi32, #tpu.memory_space<vmem>> -> memref<1x6400xi32, #tpu.memory_space<vmem>>
      %dma_start3A_54 = tpu.memref_squeeze %dma_start3A_53 : memref<1x6400xi32, #tpu.memory_space<vmem>> -> memref<6400xi32, #tpu.memory_space<vmem>>
      %dma_start3A_55 = tpu.memref_slice %arg3[%mul3A_50] : memref<12800000xi32, #tpu.memory_space<hbm>> -> memref<6400xi32, #tpu.memory_space<hbm>>
      %dma_start3A_56 = tpu.memref_slice %arg3[%mul3A_50] : memref<12800000xi32, #tpu.memory_space<hbm>> -> memref<6400xi32, #tpu.memory_space<hbm>>
      %dma_start3A_57 = arith.constant 0 : i32
      %dma_start3A_58 = tpu.memref_slice %arg4[%dma_start3A_51, %dma_start3A_57] : memref<2x6400xi32, #tpu.memory_space<vmem>> -> memref<1x6400xi32, #tpu.memory_space<vmem>>
      %dma_start3A_59 = tpu.memref_squeeze %dma_start3A_58 : memref<1x6400xi32, #tpu.memory_space<vmem>> -> memref<6400xi32, #tpu.memory_space<vmem>>
      tpu.enqueue_dma source(%dma_start3A_59 : memref<6400xi32, #tpu.memory_space<vmem>>) target(%dma_start3A_56 : memref<6400xi32, #tpu.memory_space<hbm>>) target_semaphore(%arg8 : memref<!tpu.dma_semaphore, #tpu.memory_space<semaphore_mem>>)
      %add3A_60 = arith.constant 6400000 : i32
      %add3A_61 = arith.addi %add3A_60, %mul3A_50 : i32
      %dma_start3A_62 = arith.constant 1 : i32
      %dma_start3A_63 = arith.constant 0 : i32
      %dma_start3A_64 = tpu.memref_slice %arg4[%dma_start3A_62, %dma_start3A_63] : memref<2x6400xi32, #tpu.memory_space<vmem>> -> memref<1x6400xi32, #tpu.memory_space<vmem>>
      %dma_start3A_65 = tpu.memref_squeeze %dma_start3A_64 : memref<1x6400xi32, #tpu.memory_space<vmem>> -> memref<6400xi32, #tpu.memory_space<vmem>>
      %dma_start3A_66 = tpu.memref_slice %arg3[%add3A_61] : memref<12800000xi32, #tpu.memory_space<hbm>> -> memref<6400xi32, #tpu.memory_space<hbm>>
      %dma_start3A_67 = tpu.memref_slice %arg3[%add3A_61] : memref<12800000xi32, #tpu.memory_space<hbm>> -> memref<6400xi32, #tpu.memory_space<hbm>>
      %dma_start3A_68 = arith.constant 0 : i32
      %dma_start3A_69 = tpu.memref_slice %arg4[%dma_start3A_62, %dma_start3A_68] : memref<2x6400xi32, #tpu.memory_space<vmem>> -> memref<1x6400xi32, #tpu.memory_space<vmem>>
      %dma_start3A_70 = tpu.memref_squeeze %dma_start3A_69 : memref<1x6400xi32, #tpu.memory_space<vmem>> -> memref<6400xi32, #tpu.memory_space<vmem>>
      tpu.enqueue_dma source(%dma_start3A_70 : memref<6400xi32, #tpu.memory_space<vmem>>) target(%dma_start3A_67 : memref<6400xi32, #tpu.memory_space<hbm>>) target_semaphore(%arg8 : memref<!tpu.dma_semaphore, #tpu.memory_space<semaphore_mem>>)
      %dma_wait3A_71 = arith.constant 0 : i32
      %dma_wait3A_72 = arith.constant 0 : i32
      %dma_wait3A_73 = tpu.memref_slice %arg2[%dma_wait3A_71, %dma_wait3A_72] : memref<2x6400000xi32, #tpu.memory_space<hbm>> -> memref<2x6400xi32, #tpu.memory_space<hbm>>
      %dma_wait3A_74 = arith.constant 0 : i32
      %dma_wait3A_75 = arith.constant 0 : i32
      %dma_wait3A_76 = tpu.memref_slice %arg2[%dma_wait3A_74, %dma_wait3A_75] : memref<2x6400000xi32, #tpu.memory_space<hbm>> -> memref<2x6400xi32, #tpu.memory_space<hbm>>
      tpu.wait_dma2 semaphore(%arg7 : memref<!tpu.dma_semaphore, #tpu.memory_space<semaphore_mem>>) src(%dma_wait3A_76 : memref<2x6400xi32, #tpu.memory_space<hbm>>) dst(%arg5 : memref<2x6400xi32, #tpu.memory_space<vmem>>)
      %mul3A_77 = arith.constant 2 : i32
      %mul3A_78 = arith.muli %mul3A_77, %scan3A_35 : i32
      %add3A_79 = arith.constant 1 : i32
      %add3A_80 = arith.addi %mul3A_78, %add3A_79 : i32
      %mul3A_81 = arith.constant 32 : i32
      %mul3A_82 = arith.muli %mul3A_81, %add3A_80 : i32
      %add3A_83 = arith.addi %add3A, %mul3A_82 : i32
      %min3A_84 = arith.constant 999 : i32
      %min3A_85 = arith.minsi %add3A_83, %min3A_84 : i32
      %mul3A_86 = arith.constant 6400 : i32
      %mul3A_87 = arith.muli %min3A_85, %mul3A_86 : i32
      %dma_start3A_88 = arith.constant 0 : i32
      %dma_start3A_89 = arith.constant 0 : i32
      %dma_start3A_90 = tpu.memref_slice %arg5[%dma_start3A_88, %dma_start3A_89] : memref<2x6400xi32, #tpu.memory_space<vmem>> -> memref<1x6400xi32, #tpu.memory_space<vmem>>
      %dma_start3A_91 = tpu.memref_squeeze %dma_start3A_90 : memref<1x6400xi32, #tpu.memory_space<vmem>> -> memref<6400xi32, #tpu.memory_space<vmem>>
      %dma_start3A_92 = tpu.memref_slice %arg3[%mul3A_87] : memref<12800000xi32, #tpu.memory_space<hbm>> -> memref<6400xi32, #tpu.memory_space<hbm>>
      %dma_start3A_93 = tpu.memref_slice %arg3[%mul3A_87] : memref<12800000xi32, #tpu.memory_space<hbm>> -> memref<6400xi32, #tpu.memory_space<hbm>>
      %dma_start3A_94 = arith.constant 0 : i32
      %dma_start3A_95 = tpu.memref_slice %arg5[%dma_start3A_88, %dma_start3A_94] : memref<2x6400xi32, #tpu.memory_space<vmem>> -> memref<1x6400xi32, #tpu.memory_space<vmem>>
      %dma_start3A_96 = tpu.memref_squeeze %dma_start3A_95 : memref<1x6400xi32, #tpu.memory_space<vmem>> -> memref<6400xi32, #tpu.memory_space<vmem>>
      tpu.enqueue_dma source(%dma_start3A_96 : memref<6400xi32, #tpu.memory_space<vmem>>) target(%dma_start3A_93 : memref<6400xi32, #tpu.memory_space<hbm>>) target_semaphore(%arg9 : memref<!tpu.dma_semaphore, #tpu.memory_space<semaphore_mem>>)
      %add3A_97 = arith.constant 6400000 : i32
      %add3A_98 = arith.addi %add3A_97, %mul3A_87 : i32
      %dma_start3A_99 = arith.constant 1 : i32
      %dma_start3A_100 = arith.constant 0 : i32
      %dma_start3A_101 = tpu.memref_slice %arg5[%dma_start3A_99, %dma_start3A_100] : memref<2x6400xi32, #tpu.memory_space<vmem>> -> memref<1x6400xi32, #tpu.memory_space<vmem>>
      %dma_start3A_102 = tpu.memref_squeeze %dma_start3A_101 : memref<1x6400xi32, #tpu.memory_space<vmem>> -> memref<6400xi32, #tpu.memory_space<vmem>>
      %dma_start3A_103 = tpu.memref_slice %arg3[%add3A_98] : memref<12800000xi32, #tpu.memory_space<hbm>> -> memref<6400xi32, #tpu.memory_space<hbm>>
      %dma_start3A_104 = tpu.memref_slice %arg3[%add3A_98] : memref<12800000xi32, #tpu.memory_space<hbm>> -> memref<6400xi32, #tpu.memory_space<hbm>>
      %dma_start3A_105 = arith.constant 0 : i32
      %dma_start3A_106 = tpu.memref_slice %arg5[%dma_start3A_99, %dma_start3A_105] : memref<2x6400xi32, #tpu.memory_space<vmem>> -> memref<1x6400xi32, #tpu.memory_space<vmem>>
      %dma_start3A_107 = tpu.memref_squeeze %dma_start3A_106 : memref<1x6400xi32, #tpu.memory_space<vmem>> -> memref<6400xi32, #tpu.memory_space<vmem>>
      tpu.enqueue_dma source(%dma_start3A_107 : memref<6400xi32, #tpu.memory_space<vmem>>) target(%dma_start3A_104 : memref<6400xi32, #tpu.memory_space<hbm>>) target_semaphore(%arg9 : memref<!tpu.dma_semaphore, #tpu.memory_space<semaphore_mem>>)
      %dma_wait3A_108 = arith.constant 0 : i32
      %dma_wait3A_109 = arith.constant 0 : i32
      %dma_wait3A_110 = tpu.memref_slice %arg4[%dma_wait3A_108, %dma_wait3A_109] : memref<2x6400xi32, #tpu.memory_space<vmem>> -> memref<1x6400xi32, #tpu.memory_space<vmem>>
      %dma_wait3A_111 = tpu.memref_squeeze %dma_wait3A_110 : memref<1x6400xi32, #tpu.memory_space<vmem>> -> memref<6400xi32, #tpu.memory_space<vmem>>
      %dma_wait3A_112 = arith.constant 0 : i32
      %dma_wait3A_113 = tpu.memref_slice %arg3[%dma_wait3A_112] : memref<12800000xi32, #tpu.memory_space<hbm>> -> memref<6400xi32, #tpu.memory_space<hbm>>
      %dma_wait3A_114 = arith.constant 0 : i32
      %dma_wait3A_115 = tpu.memref_slice %arg3[%dma_wait3A_114] : memref<12800000xi32, #tpu.memory_space<hbm>> -> memref<6400xi32, #tpu.memory_space<hbm>>
      %dma_wait3A_116 = arith.constant 0 : i32
      %dma_wait3A_117 = tpu.memref_slice %arg4[%dma_wait3A_108, %dma_wait3A_116] : memref<2x6400xi32, #tpu.memory_space<vmem>> -> memref<1x6400xi32, #tpu.memory_space<vmem>>
      %dma_wait3A_118 = tpu.memref_squeeze %dma_wait3A_117 : memref<1x6400xi32, #tpu.memory_space<vmem>> -> memref<6400xi32, #tpu.memory_space<vmem>>
      tpu.wait_dma2 semaphore(%arg8 : memref<!tpu.dma_semaphore, #tpu.memory_space<semaphore_mem>>) src(%dma_wait3A_118 : memref<6400xi32, #tpu.memory_space<vmem>>) dst(%dma_wait3A_115 : memref<6400xi32, #tpu.memory_space<hbm>>)
      %dma_wait3A_119 = arith.constant 1 : i32
      %dma_wait3A_120 = arith.constant 0 : i32
      %dma_wait3A_121 = tpu.memref_slice %arg4[%dma_wait3A_119, %dma_wait3A_120] : memref<2x6400xi32, #tpu.memory_space<vmem>> -> memref<1x6400xi32, #tpu.memory_space<vmem>>
      %dma_wait3A_122 = tpu.memref_squeeze %dma_wait3A_121 : memref<1x6400xi32, #tpu.memory_space<vmem>> -> memref<6400xi32, #tpu.memory_space<vmem>>
      %dma_wait3A_123 = arith.constant 0 : i32
      %dma_wait3A_124 = tpu.memref_slice %arg3[%dma_wait3A_123] : memref<12800000xi32, #tpu.memory_space<hbm>> -> memref<6400xi32, #tpu.memory_space<hbm>>
      %dma_wait3A_125 = arith.constant 0 : i32
      %dma_wait3A_126 = tpu.memref_slice %arg3[%dma_wait3A_125] : memref<12800000xi32, #tpu.memory_space<hbm>> -> memref<6400xi32, #tpu.memory_space<hbm>>
      %dma_wait3A_127 = arith.constant 0 : i32
      %dma_wait3A_128 = tpu.memref_slice %arg4[%dma_wait3A_119, %dma_wait3A_127] : memref<2x6400xi32, #tpu.memory_space<vmem>> -> memref<1x6400xi32, #tpu.memory_space<vmem>>
      %dma_wait3A_129 = tpu.memref_squeeze %dma_wait3A_128 : memref<1x6400xi32, #tpu.memory_space<vmem>> -> memref<6400xi32, #tpu.memory_space<vmem>>
      tpu.wait_dma2 semaphore(%arg8 : memref<!tpu.dma_semaphore, #tpu.memory_space<semaphore_mem>>) src(%dma_wait3A_129 : memref<6400xi32, #tpu.memory_space<vmem>>) dst(%dma_wait3A_126 : memref<6400xi32, #tpu.memory_space<hbm>>)
      %mul3A_130 = arith.constant 2 : i32
      %mul3A_131 = arith.muli %mul3A_130, %scan3A_35 : i32
      %add3A_132 = arith.constant 2 : i32
      %add3A_133 = arith.addi %mul3A_131, %add3A_132 : i32
      %mul3A_134 = arith.constant 32 : i32
      %mul3A_135 = arith.muli %mul3A_134, %add3A_133 : i32
      %add3A_136 = arith.addi %add3A, %mul3A_135 : i32
      %min3A_137 = arith.constant 999 : i32
      %min3A_138 = arith.minsi %add3A_136, %min3A_137 : i32
      %mul3A_139 = arith.constant 6400 : i32
      %mul3A_140 = arith.muli %min3A_138, %mul3A_139 : i32
      %dma_start3A_141 = arith.constant 0 : i32
      %dma_start3A_142 = tpu.memref_slice %arg2[%dma_start3A_141, %mul3A_140] : memref<2x6400000xi32, #tpu.memory_space<hbm>> -> memref<2x6400xi32, #tpu.memory_space<hbm>>
      %dma_start3A_143 = arith.constant 0 : i32
      %dma_start3A_144 = tpu.memref_slice %arg2[%dma_start3A_143, %mul3A_140] : memref<2x6400000xi32, #tpu.memory_space<hbm>> -> memref<2x6400xi32, #tpu.memory_space<hbm>>
      tpu.enqueue_dma source(%dma_start3A_144 : memref<2x6400xi32, #tpu.memory_space<hbm>>) target(%arg4 : memref<2x6400xi32, #tpu.memory_space<vmem>>) target_semaphore(%arg6 : memref<!tpu.dma_semaphore, #tpu.memory_space<semaphore_mem>>)
      %dma_wait3A_145 = arith.constant 0 : i32
      %dma_wait3A_146 = arith.constant 0 : i32
      %dma_wait3A_147 = tpu.memref_slice %arg5[%dma_wait3A_145, %dma_wait3A_146] : memref<2x6400xi32, #tpu.memory_space<vmem>> -> memref<1x6400xi32, #tpu.memory_space<vmem>>
      %dma_wait3A_148 = tpu.memref_squeeze %dma_wait3A_147 : memref<1x6400xi32, #tpu.memory_space<vmem>> -> memref<6400xi32, #tpu.memory_space<vmem>>
      %dma_wait3A_149 = arith.constant 0 : i32
      %dma_wait3A_150 = tpu.memref_slice %arg3[%dma_wait3A_149] : memref<12800000xi32, #tpu.memory_space<hbm>> -> memref<6400xi32, #tpu.memory_space<hbm>>
      %dma_wait3A_151 = arith.constant 0 : i32
      %dma_wait3A_152 = tpu.memref_slice %arg3[%dma_wait3A_151] : memref<12800000xi32, #tpu.memory_space<hbm>> -> memref<6400xi32, #tpu.memory_space<hbm>>
      %dma_wait3A_153 = arith.constant 0 : i32
      %dma_wait3A_154 = tpu.memref_slice %arg5[%dma_wait3A_145, %dma_wait3A_153] : memref<2x6400xi32, #tpu.memory_space<vmem>> -> memref<1x6400xi32, #tpu.memory_space<vmem>>
      %dma_wait3A_155 = tpu.memref_squeeze %dma_wait3A_154 : memref<1x6400xi32, #tpu.memory_space<vmem>> -> memref<6400xi32, #tpu.memory_space<vmem>>
      tpu.wait_dma2 semaphore(%arg9 : memref<!tpu.dma_semaphore, #tpu.memory_space<semaphore_mem>>) src(%dma_wait3A_155 : memref<6400xi32, #tpu.memory_space<vmem>>) dst(%dma_wait3A_152 : memref<6400xi32, #tpu.memory_space<hbm>>)
      %dma_wait3A_156 = arith.constant 1 : i32
      %dma_wait3A_157 = arith.constant 0 : i32
      %dma_wait3A_158 = tpu.memref_slice %arg5[%dma_wait3A_156, %dma_wait3A_157] : memref<2x6400xi32, #tpu.memory_space<vmem>> -> memref<1x6400xi32, #tpu.memory_space<vmem>>
      %dma_wait3A_159 = tpu.memref_squeeze %dma_wait3A_158 : memref<1x6400xi32, #tpu.memory_space<vmem>> -> memref<6400xi32, #tpu.memory_space<vmem>>
      %dma_wait3A_160 = arith.constant 0 : i32
      %dma_wait3A_161 = tpu.memref_slice %arg3[%dma_wait3A_160] : memref<12800000xi32, #tpu.memory_space<hbm>> -> memref<6400xi32, #tpu.memory_space<hbm>>
      %dma_wait3A_162 = arith.constant 0 : i32
      %dma_wait3A_163 = tpu.memref_slice %arg3[%dma_wait3A_162] : memref<12800000xi32, #tpu.memory_space<hbm>> -> memref<6400xi32, #tpu.memory_space<hbm>>
      %dma_wait3A_164 = arith.constant 0 : i32
      %dma_wait3A_165 = tpu.memref_slice %arg5[%dma_wait3A_156, %dma_wait3A_164] : memref<2x6400xi32, #tpu.memory_space<vmem>> -> memref<1x6400xi32, #tpu.memory_space<vmem>>
      %dma_wait3A_166 = tpu.memref_squeeze %dma_wait3A_165 : memref<1x6400xi32, #tpu.memory_space<vmem>> -> memref<6400xi32, #tpu.memory_space<vmem>>
      tpu.wait_dma2 semaphore(%arg9 : memref<!tpu.dma_semaphore, #tpu.memory_space<semaphore_mem>>) src(%dma_wait3A_166 : memref<6400xi32, #tpu.memory_space<vmem>>) dst(%dma_wait3A_163 : memref<6400xi32, #tpu.memory_space<hbm>>)
      %mul3A_167 = arith.constant 2 : i32
      %mul3A_168 = arith.muli %mul3A_167, %scan3A_35 : i32
      %add3A_169 = arith.constant 3 : i32
      %add3A_170 = arith.addi %mul3A_168, %add3A_169 : i32
      %mul3A_171 = arith.constant 32 : i32
      %mul3A_172 = arith.muli %mul3A_171, %add3A_170 : i32
      %add3A_173 = arith.addi %add3A, %mul3A_172 : i32
      %min3A_174 = arith.constant 999 : i32
      %min3A_175 = arith.minsi %add3A_173, %min3A_174 : i32
      %mul3A_176 = arith.constant 6400 : i32
      %mul3A_177 = arith.muli %min3A_175, %mul3A_176 : i32
      %dma_start3A_178 = arith.constant 0 : i32
      %dma_start3A_179 = tpu.memref_slice %arg2[%dma_start3A_178, %mul3A_177] : memref<2x6400000xi32, #tpu.memory_space<hbm>> -> memref<2x6400xi32, #tpu.memory_space<hbm>>
      %dma_start3A_180 = arith.constant 0 : i32
      %dma_start3A_181 = tpu.memref_slice %arg2[%dma_start3A_180, %mul3A_177] : memref<2x6400000xi32, #tpu.memory_space<hbm>> -> memref<2x6400xi32, #tpu.memory_space<hbm>>
      tpu.enqueue_dma source(%dma_start3A_181 : memref<2x6400xi32, #tpu.memory_space<hbm>>) target(%arg5 : memref<2x6400xi32, #tpu.memory_space<vmem>>) target_semaphore(%arg7 : memref<!tpu.dma_semaphore, #tpu.memory_space<semaphore_mem>>)
    }
    %scan3A_23 = arith.constant 16 : i32
    %dma_wait3A = arith.constant 0 : i32
    %dma_wait3A_24 = arith.constant 0 : i32
    %dma_wait3A_25 = tpu.memref_slice %arg2[%dma_wait3A, %dma_wait3A_24] : memref<2x6400000xi32, #tpu.memory_space<hbm>> -> memref<2x6400xi32, #tpu.memory_space<hbm>>
    %dma_wait3A_26 = arith.constant 0 : i32
    %dma_wait3A_27 = arith.constant 0 : i32
    %dma_wait3A_28 = tpu.memref_slice %arg2[%dma_wait3A_26, %dma_wait3A_27] : memref<2x6400000xi32, #tpu.memory_space<hbm>> -> memref<2x6400xi32, #tpu.memory_space<hbm>>
    tpu.wait_dma2 semaphore(%arg6 : memref<!tpu.dma_semaphore, #tpu.memory_space<semaphore_mem>>) src(%dma_wait3A_28 : memref<2x6400xi32, #tpu.memory_space<hbm>>) dst(%arg4 : memref<2x6400xi32, #tpu.memory_space<vmem>>)
    %dma_wait3A_29 = arith.constant 0 : i32
    %dma_wait3A_30 = arith.constant 0 : i32
    %dma_wait3A_31 = tpu.memref_slice %arg2[%dma_wait3A_29, %dma_wait3A_30] : memref<2x6400000xi32, #tpu.memory_space<hbm>> -> memref<2x6400xi32, #tpu.memory_space<hbm>>
    %dma_wait3A_32 = arith.constant 0 : i32
    %dma_wait3A_33 = arith.constant 0 : i32
    %dma_wait3A_34 = tpu.memref_slice %arg2[%dma_wait3A_32, %dma_wait3A_33] : memref<2x6400000xi32, #tpu.memory_space<hbm>> -> memref<2x6400xi32, #tpu.memory_space<hbm>>
    tpu.wait_dma2 semaphore(%arg7 : memref<!tpu.dma_semaphore, #tpu.memory_space<semaphore_mem>>) src(%dma_wait3A_34 : memref<2x6400xi32, #tpu.memory_space<hbm>>) dst(%arg5 : memref<2x6400xi32, #tpu.memory_space<vmem>>)
    return
  }
}

#map = affine_map<(d0, d1) -> (0, 0)>
#map1 = affine_map<(d0, d1) -> (0)>
module attributes {stable_mosaic.version = 14 : i64} {
  func.func @dist_kernel(%arg0: i32, %arg1: i32, %arg2: memref<100000x8xf32, #tpu.memory_space<hbm>>, %arg3: memref<12800000xi32, #tpu.memory_space<hbm>>, %arg4: memref<3x16xf32, #tpu.memory_space<hbm>>, %arg5: memref<6400000xf32, #tpu.memory_space<hbm>>, %arg6: memref<6400000xf32, #tpu.memory_space<hbm>>, %arg7: memref<6400000xf32, #tpu.memory_space<hbm>>, %arg8: memref<6400000xf32, #tpu.memory_space<hbm>>, %arg9: memref<3x16xf32, #tpu.memory_space<vmem>>, %arg10: memref<2000xi32, #tpu.memory_space<vmem>>, %arg11: memref<2000xi32, #tpu.memory_space<vmem>>, %arg12: memref<2000xi32, #tpu.memory_space<vmem>>, %arg13: memref<2000xi32, #tpu.memory_space<vmem>>, %arg14: memref<2000x8xf32, #tpu.memory_space<vmem>>, %arg15: memref<2000x8xf32, #tpu.memory_space<vmem>>, %arg16: memref<2000x8xf32, #tpu.memory_space<vmem>>, %arg17: memref<2000x8xf32, #tpu.memory_space<vmem>>, %arg18: memref<2000xf32, #tpu.memory_space<vmem>>, %arg19: memref<2000xf32, #tpu.memory_space<vmem>>, %arg20: memref<2000xf32, #tpu.memory_space<vmem>>, %arg21: memref<2000xf32, #tpu.memory_space<vmem>>, %arg22: memref<2000xf32, #tpu.memory_space<vmem>>, %arg23: memref<2000xf32, #tpu.memory_space<vmem>>, %arg24: memref<2000xf32, #tpu.memory_space<vmem>>, %arg25: memref<2000xf32, #tpu.memory_space<vmem>>, %arg26: memref<!tpu.dma_semaphore, #tpu.memory_space<semaphore_mem>>, %arg27: memref<!tpu.dma_semaphore, #tpu.memory_space<semaphore_mem>>, %arg28: memref<!tpu.dma_semaphore, #tpu.memory_space<semaphore_mem>>, %arg29: memref<!tpu.dma_semaphore, #tpu.memory_space<semaphore_mem>>, %arg30: memref<!tpu.dma_semaphore, #tpu.memory_space<semaphore_mem>>, %arg31: memref<!tpu.dma_semaphore, #tpu.memory_space<semaphore_mem>>) attributes {dimension_semantics = [#tpu.dimension_semantics<core_parallel>, #tpu.dimension_semantics<subcore_parallel>], iteration_bounds = array<i64: 2, 16>, scalar_prefetch = 0 : i64, scratch_operands = 23 : i64, tpu.core_type = #tpu.core_type<sc_vector_subcore>, window_params = [{transform_indices = #map}, {transform_indices = #map1}, {transform_indices = #map}, {transform_indices = #map1}, {transform_indices = #map1}, {transform_indices = #map1}, {transform_indices = #map1}]} {
    %mul3A = arith.constant 2 : i32
    %mul3A_0 = arith.muli %arg1, %mul3A : i32
    %add3A = arith.addi %mul3A_0, %arg0 : i32
    %mul3A_1 = arith.constant 200000 : i32
    %mul3A_2 = arith.muli %add3A, %mul3A_1 : i32
    "tpu.region"() ({
      %run_scoped3A = tpu.sem_alloc : memref<!tpu.dma_semaphore, #tpu.memory_space<semaphore_mem>>
      tpu.enqueue_dma source(%arg4 : memref<3x16xf32, #tpu.memory_space<hbm>>) target(%arg9 : memref<3x16xf32, #tpu.memory_space<vmem>>) target_semaphore(%run_scoped3A : memref<!tpu.dma_semaphore, #tpu.memory_space<semaphore_mem>>)
      tpu.wait_dma2 semaphore(%run_scoped3A : memref<!tpu.dma_semaphore, #tpu.memory_space<semaphore_mem>>) src(%arg4 : memref<3x16xf32, #tpu.memory_space<hbm>>) dst(%arg9 : memref<3x16xf32, #tpu.memory_space<vmem>>)
      tpu.yield
    }) : () -> ()
    %get3A = arith.constant 0 : i32
    %get3A_3 = arith.index_cast %get3A : i32 to index
    %get3A_4 = arith.constant 0 : index
    %get3A_5 = tpu.vector_load %arg9[%get3A_3, %get3A_4] {strides = array<i32>} : memref<3x16xf32, #tpu.memory_space<vmem>>, vector<16xf32>,
    %get3A_6 = arith.constant 1 : i32
    %get3A_7 = arith.index_cast %get3A_6 : i32 to index
    %get3A_8 = arith.constant 0 : index
    %get3A_9 = tpu.vector_load %arg9[%get3A_7, %get3A_8] {strides = array<i32>} : memref<3x16xf32, #tpu.memory_space<vmem>>, vector<16xf32>,
    %get3A_10 = arith.constant 2 : i32
    %get3A_11 = arith.index_cast %get3A_10 : i32 to index
    %get3A_12 = arith.constant 0 : index
    %get3A_13 = tpu.vector_load %arg9[%get3A_11, %get3A_12] {strides = array<i32>} : memref<3x16xf32, #tpu.memory_space<vmem>>, vector<16xf32>,
    %iota3A = tpu.iota {dimensions = array<i32: 0>} : vector<16xi32>
    %broadcast_in_dim3A = arith.constant 0 : i32
    %broadcast_in_dim3A_14 = vector.broadcast %broadcast_in_dim3A : i32 to vector<16xi32>
    %broadcast_in_dim3A_15 = arith.constant 1 : i32
    %broadcast_in_dim3A_16 = vector.broadcast %broadcast_in_dim3A_15 : i32 to vector<16xi32>
    %broadcast_in_dim3A_17 = arith.constant 2 : i32
    %broadcast_in_dim3A_18 = vector.broadcast %broadcast_in_dim3A_17 : i32 to vector<16xi32>
    %add3A_19 = arith.constant 0 : i32
    %add3A_20 = arith.addi %mul3A_2, %add3A_19 : i32
    %dma_start3A = tpu.memref_slice %arg3[%add3A_20] : memref<12800000xi32, #tpu.memory_space<hbm>> -> memref<2000xi32, #tpu.memory_space<hbm>>
    %dma_start3A_21 = tpu.memref_slice %arg3[%add3A_20] : memref<12800000xi32, #tpu.memory_space<hbm>> -> memref<2000xi32, #tpu.memory_space<hbm>>
    tpu.enqueue_dma source(%dma_start3A_21 : memref<2000xi32, #tpu.memory_space<hbm>>) target(%arg10 : memref<2000xi32, #tpu.memory_space<vmem>>) target_semaphore(%arg26 : memref<!tpu.dma_semaphore, #tpu.memory_space<semaphore_mem>>)
    %add3A_22 = arith.constant 6400000 : i32
    %add3A_23 = arith.addi %add3A_22, %add3A_20 : i32
    %dma_start3A_24 = tpu.memref_slice %arg3[%add3A_23] : memref<12800000xi32, #tpu.memory_space<hbm>> -> memref<2000xi32, #tpu.memory_space<hbm>>
    %dma_start3A_25 = tpu.memref_slice %arg3[%add3A_23] : memref<12800000xi32, #tpu.memory_space<hbm>> -> memref<2000xi32, #tpu.memory_space<hbm>>
    tpu.enqueue_dma source(%dma_start3A_25 : memref<2000xi32, #tpu.memory_space<hbm>>) target(%arg12 : memref<2000xi32, #tpu.memory_space<vmem>>) target_semaphore(%arg26 : memref<!tpu.dma_semaphore, #tpu.memory_space<semaphore_mem>>)
    %add3A_26 = arith.constant 2000 : i32
    %add3A_27 = arith.addi %mul3A_2, %add3A_26 : i32
    %dma_start3A_28 = tpu.memref_slice %arg3[%add3A_27] : memref<12800000xi32, #tpu.memory_space<hbm>> -> memref<2000xi32, #tpu.memory_space<hbm>>
    %dma_start3A_29 = tpu.memref_slice %arg3[%add3A_27] : memref<12800000xi32, #tpu.memory_space<hbm>> -> memref<2000xi32, #tpu.memory_space<hbm>>
    tpu.enqueue_dma source(%dma_start3A_29 : memref<2000xi32, #tpu.memory_space<hbm>>) target(%arg11 : memref<2000xi32, #tpu.memory_space<vmem>>) target_semaphore(%arg27 : memref<!tpu.dma_semaphore, #tpu.memory_space<semaphore_mem>>)
    %add3A_30 = arith.constant 6400000 : i32
    %add3A_31 = arith.addi %add3A_30, %add3A_27 : i32
    %dma_start3A_32 = tpu.memref_slice %arg3[%add3A_31] : memref<12800000xi32, #tpu.memory_space<hbm>> -> memref<2000xi32, #tpu.memory_space<hbm>>
    %dma_start3A_33 = tpu.memref_slice %arg3[%add3A_31] : memref<12800000xi32, #tpu.memory_space<hbm>> -> memref<2000xi32, #tpu.memory_space<hbm>>
    tpu.enqueue_dma source(%dma_start3A_33 : memref<2000xi32, #tpu.memory_space<hbm>>) target(%arg13 : memref<2000xi32, #tpu.memory_space<vmem>>) target_semaphore(%arg27 : memref<!tpu.dma_semaphore, #tpu.memory_space<semaphore_mem>>)
    %dma_wait3A = arith.constant 0 : i32
    %dma_wait3A_34 = tpu.memref_slice %arg3[%dma_wait3A] : memref<12800000xi32, #tpu.memory_space<hbm>> -> memref<2000xi32, #tpu.memory_space<hbm>>
    %dma_wait3A_35 = arith.constant 0 : i32
    %dma_wait3A_36 = tpu.memref_slice %arg3[%dma_wait3A_35] : memref<12800000xi32, #tpu.memory_space<hbm>> -> memref<2000xi32, #tpu.memory_space<hbm>>
    tpu.wait_dma2 semaphore(%arg26 : memref<!tpu.dma_semaphore, #tpu.memory_space<semaphore_mem>>) src(%dma_wait3A_36 : memref<2000xi32, #tpu.memory_space<hbm>>) dst(%arg10 : memref<2000xi32, #tpu.memory_space<vmem>>)
    %dma_wait3A_37 = arith.constant 0 : i32
    %dma_wait3A_38 = tpu.memref_slice %arg3[%dma_wait3A_37] : memref<12800000xi32, #tpu.memory_space<hbm>> -> memref<2000xi32, #tpu.memory_space<hbm>>
    %dma_wait3A_39 = arith.constant 0 : i32
    %dma_wait3A_40 = tpu.memref_slice %arg3[%dma_wait3A_39] : memref<12800000xi32, #tpu.memory_space<hbm>> -> memref<2000xi32, #tpu.memory_space<hbm>>
    tpu.wait_dma2 semaphore(%arg26 : memref<!tpu.dma_semaphore, #tpu.memory_space<semaphore_mem>>) src(%dma_wait3A_40 : memref<2000xi32, #tpu.memory_space<hbm>>) dst(%arg12 : memref<2000xi32, #tpu.memory_space<vmem>>)
    %dma_start3A_41 = arith.constant 0 : i32
    %dma_start3A_42 = arith.constant 0 : i32
    %dma_start3A_43 = tpu.memref_slice %arg2[%dma_start3A_41, %dma_start3A_42] : memref<100000x8xf32, #tpu.memory_space<hbm>> -> memref<100000x8xf32, #tpu.memory_space<hbm>>
    tpu.enqueue_indirect_dma source(%dma_start3A_43 : memref<100000x8xf32, #tpu.memory_space<hbm>>) target(%arg14 : memref<2000x8xf32, #tpu.memory_space<vmem>>) offsets(%arg10 : memref<2000xi32, #tpu.memory_space<vmem>>) semaphore(%arg28 : memref<!tpu.dma_semaphore, #tpu.memory_space<semaphore_mem>>)
    %dma_start3A_44 = arith.constant 0 : i32
    %dma_start3A_45 = arith.constant 0 : i32
    %dma_start3A_46 = tpu.memref_slice %arg2[%dma_start3A_44, %dma_start3A_45] : memref<100000x8xf32, #tpu.memory_space<hbm>> -> memref<100000x8xf32, #tpu.memory_space<hbm>>
    tpu.enqueue_indirect_dma source(%dma_start3A_46 : memref<100000x8xf32, #tpu.memory_space<hbm>>) target(%arg16 : memref<2000x8xf32, #tpu.memory_space<vmem>>) offsets(%arg12 : memref<2000xi32, #tpu.memory_space<vmem>>) semaphore(%arg28 : memref<!tpu.dma_semaphore, #tpu.memory_space<semaphore_mem>>)
    %scan3A = arith.constant 0 : i32
    %scan3A_47 = arith.constant 0 : i32
    %scan3A_48 = arith.constant 50 : i32
    %scan3A_49 = arith.addi %scan3A_47, %scan3A_48 : i32
    %scan3A_50 = arith.constant 1 : i32
    scf.for %scan3A_98 = %scan3A_47 to %scan3A_49 step %scan3A_50  : i32 {
      %mul3A_99 = arith.constant 2 : i32
      %mul3A_100 = arith.muli %mul3A_99, %scan3A_98 : i32
      %mul3A_101 = arith.constant 2 : i32
      %mul3A_102 = arith.muli %mul3A_101, %scan3A_98 : i32
      %add3A_103 = arith.constant 1 : i32
      %add3A_104 = arith.addi %mul3A_102, %add3A_103 : i32
      %dma_wait3A_105 = arith.constant 0 : i32
      %dma_wait3A_106 = tpu.memref_slice %arg3[%dma_wait3A_105] : memref<12800000xi32, #tpu.memory_space<hbm>> -> memref<2000xi32, #tpu.memory_space<hbm>>
      %dma_wait3A_107 = arith.constant 0 : i32
      %dma_wait3A_108 = tpu.memref_slice %arg3[%dma_wait3A_107] : memref<12800000xi32, #tpu.memory_space<hbm>> -> memref<2000xi32, #tpu.memory_space<hbm>>
      tpu.wait_dma2 semaphore(%arg27 : memref<!tpu.dma_semaphore, #tpu.memory_space<semaphore_mem>>) src(%dma_wait3A_108 : memref<2000xi32, #tpu.memory_space<hbm>>) dst(%arg11 : memref<2000xi32, #tpu.memory_space<vmem>>)
      %dma_wait3A_109 = arith.constant 0 : i32
      %dma_wait3A_110 = tpu.memref_slice %arg3[%dma_wait3A_109] : memref<12800000xi32, #tpu.memory_space<hbm>> -> memref<2000xi32, #tpu.memory_space<hbm>>
      %dma_wait3A_111 = arith.constant 0 : i32
      %dma_wait3A_112 = tpu.memref_slice %arg3[%dma_wait3A_111] : memref<12800000xi32, #tpu.memory_space<hbm>> -> memref<2000xi32, #tpu.memory_space<hbm>>
      tpu.wait_dma2 semaphore(%arg27 : memref<!tpu.dma_semaphore, #tpu.memory_space<semaphore_mem>>) src(%dma_wait3A_112 : memref<2000xi32, #tpu.memory_space<hbm>>) dst(%arg13 : memref<2000xi32, #tpu.memory_space<vmem>>)
      %dma_start3A_113 = arith.constant 0 : i32
      %dma_start3A_114 = arith.constant 0 : i32
      %dma_start3A_115 = tpu.memref_slice %arg2[%dma_start3A_113, %dma_start3A_114] : memref<100000x8xf32, #tpu.memory_space<hbm>> -> memref<100000x8xf32, #tpu.memory_space<hbm>>
      tpu.enqueue_indirect_dma source(%dma_start3A_115 : memref<100000x8xf32, #tpu.memory_space<hbm>>) target(%arg15 : memref<2000x8xf32, #tpu.memory_space<vmem>>) offsets(%arg11 : memref<2000xi32, #tpu.memory_space<vmem>>) semaphore(%arg29 : memref<!tpu.dma_semaphore, #tpu.memory_space<semaphore_mem>>)
      %dma_start3A_116 = arith.constant 0 : i32
      %dma_start3A_117 = arith.constant 0 : i32
      %dma_start3A_118 = tpu.memref_slice %arg2[%dma_start3A_116, %dma_start3A_117] : memref<100000x8xf32, #tpu.memory_space<hbm>> -> memref<100000x8xf32, #tpu.memory_space<hbm>>
      tpu.enqueue_indirect_dma source(%dma_start3A_118 : memref<100000x8xf32, #tpu.memory_space<hbm>>) target(%arg17 : memref<2000x8xf32, #tpu.memory_space<vmem>>) offsets(%arg13 : memref<2000xi32, #tpu.memory_space<vmem>>) semaphore(%arg29 : memref<!tpu.dma_semaphore, #tpu.memory_space<semaphore_mem>>)
      %dma_wait3A_119 = arith.constant 0 : i32
      %dma_wait3A_120 = arith.constant 0 : i32
      %dma_wait3A_121 = tpu.memref_slice %arg2[%dma_wait3A_119, %dma_wait3A_120] : memref<100000x8xf32, #tpu.memory_space<hbm>> -> memref<100000x8xf32, #tpu.memory_space<hbm>>
      tpu.wait_indirect_dma semaphore(%arg28 : memref<!tpu.dma_semaphore, #tpu.memory_space<semaphore_mem>>) src(%dma_wait3A_121 : memref<100000x8xf32, #tpu.memory_space<hbm>>) dst(%arg14 : memref<2000x8xf32, #tpu.memory_space<vmem>>)
      %dma_wait3A_122 = arith.constant 0 : i32
      %dma_wait3A_123 = arith.constant 0 : i32
      %dma_wait3A_124 = tpu.memref_slice %arg2[%dma_wait3A_122, %dma_wait3A_123] : memref<100000x8xf32, #tpu.memory_space<hbm>> -> memref<100000x8xf32, #tpu.memory_space<hbm>>
      tpu.wait_indirect_dma semaphore(%arg28 : memref<!tpu.dma_semaphore, #tpu.memory_space<semaphore_mem>>) src(%dma_wait3A_124 : memref<100000x8xf32, #tpu.memory_space<hbm>>) dst(%arg16 : memref<2000x8xf32, #tpu.memory_space<vmem>>)
      %gt3A = arith.constant 0 : i32
      %gt3A_125 = arith.cmpi sgt, %scan3A_98, %gt3A : i32
      %convert_element_type3A = arith.extui %gt3A_125 : i1 to i32
      %cond3A = arith.constant 0 : i32
      %cond3A_126 = arith.cmpi ne, %convert_element_type3A, %cond3A : i32
      scf.if %cond3A_126 {
        %dma_wait3A_211 = arith.constant 0 : i32
        %dma_wait3A_212 = tpu.memref_slice %arg5[%dma_wait3A_211] : memref<6400000xf32, #tpu.memory_space<hbm>> -> memref<2000xf32, #tpu.memory_space<hbm>>
        %dma_wait3A_213 = arith.constant 0 : i32
        %dma_wait3A_214 = tpu.memref_slice %arg5[%dma_wait3A_213] : memref<6400000xf32, #tpu.memory_space<hbm>> -> memref<2000xf32, #tpu.memory_space<hbm>>
        tpu.wait_dma2 semaphore(%arg30 : memref<!tpu.dma_semaphore, #tpu.memory_space<semaphore_mem>>) src(%arg18 : memref<2000xf32, #tpu.memory_space<vmem>>) dst(%dma_wait3A_214 : memref<2000xf32, #tpu.memory_space<hbm>>)
        %dma_wait3A_215 = arith.constant 0 : i32
        %dma_wait3A_216 = tpu.memref_slice %arg6[%dma_wait3A_215] : memref<6400000xf32, #tpu.memory_space<hbm>> -> memref<2000xf32, #tpu.memory_space<hbm>>
        %dma_wait3A_217 = arith.constant 0 : i32
        %dma_wait3A_218 = tpu.memref_slice %arg6[%dma_wait3A_217] : memref<6400000xf32, #tpu.memory_space<hbm>> -> memref<2000xf32, #tpu.memory_space<hbm>>
        tpu.wait_dma2 semaphore(%arg30 : memref<!tpu.dma_semaphore, #tpu.memory_space<semaphore_mem>>) src(%arg20 : memref<2000xf32, #tpu.memory_space<vmem>>) dst(%dma_wait3A_218 : memref<2000xf32, #tpu.memory_space<hbm>>)
        %dma_wait3A_219 = arith.constant 0 : i32
        %dma_wait3A_220 = tpu.memref_slice %arg7[%dma_wait3A_219] : memref<6400000xf32, #tpu.memory_space<hbm>> -> memref<2000xf32, #tpu.memory_space<hbm>>
        %dma_wait3A_221 = arith.constant 0 : i32
        %dma_wait3A_222 = tpu.memref_slice %arg7[%dma_wait3A_221] : memref<6400000xf32, #tpu.memory_space<hbm>> -> memref<2000xf32, #tpu.memory_space<hbm>>
        tpu.wait_dma2 semaphore(%arg30 : memref<!tpu.dma_semaphore, #tpu.memory_space<semaphore_mem>>) src(%arg21 : memref<2000xf32, #tpu.memory_space<vmem>>) dst(%dma_wait3A_222 : memref<2000xf32, #tpu.memory_space<hbm>>)
        %dma_wait3A_223 = arith.constant 0 : i32
        %dma_wait3A_224 = tpu.memref_slice %arg8[%dma_wait3A_223] : memref<6400000xf32, #tpu.memory_space<hbm>> -> memref<2000xf32, #tpu.memory_space<hbm>>
        %dma_wait3A_225 = arith.constant 0 : i32
        %dma_wait3A_226 = tpu.memref_slice %arg8[%dma_wait3A_225] : memref<6400000xf32, #tpu.memory_space<hbm>> -> memref<2000xf32, #tpu.memory_space<hbm>>
        tpu.wait_dma2 semaphore(%arg30 : memref<!tpu.dma_semaphore, #tpu.memory_space<semaphore_mem>>) src(%arg22 : memref<2000xf32, #tpu.memory_space<vmem>>) dst(%dma_wait3A_226 : memref<2000xf32, #tpu.memory_space<hbm>>)
      } else {
      }
      %add3A_127 = arith.constant 2 : i32
      %add3A_128 = arith.addi %mul3A_100, %add3A_127 : i32
      %min3A = arith.constant 99 : i32
      %min3A_129 = arith.minsi %add3A_128, %min3A : i32
      %mul3A_130 = arith.constant 2000 : i32
      %mul3A_131 = arith.muli %min3A_129, %mul3A_130 : i32
      %add3A_132 = arith.addi %mul3A_2, %mul3A_131 : i32
      %dma_start3A_133 = tpu.memref_slice %arg3[%add3A_132] : memref<12800000xi32, #tpu.memory_space<hbm>> -> memref<2000xi32, #tpu.memory_space<hbm>>
      %dma_start3A_134 = tpu.memref_slice %arg3[%add3A_132] : memref<12800000xi32, #tpu.memory_space<hbm>> -> memref<2000xi32, #tpu.memory_space<hbm>>
      tpu.enqueue_dma source(%dma_start3A_134 : memref<2000xi32, #tpu.memory_space<hbm>>) target(%arg10 : memref<2000xi32, #tpu.memory_space<vmem>>) target_semaphore(%arg26 : memref<!tpu.dma_semaphore, #tpu.memory_space<semaphore_mem>>)
      %add3A_135 = arith.constant 6400000 : i32
      %add3A_136 = arith.addi %add3A_135, %add3A_132 : i32
      %dma_start3A_137 = tpu.memref_slice %arg3[%add3A_136] : memref<12800000xi32, #tpu.memory_space<hbm>> -> memref<2000xi32, #tpu.memory_space<hbm>>
      %dma_start3A_138 = tpu.memref_slice %arg3[%add3A_136] : memref<12800000xi32, #tpu.memory_space<hbm>> -> memref<2000xi32, #tpu.memory_space<hbm>>
      tpu.enqueue_dma source(%dma_start3A_138 : memref<2000xi32, #tpu.memory_space<hbm>>) target(%arg12 : memref<2000xi32, #tpu.memory_space<vmem>>) target_semaphore(%arg26 : memref<!tpu.dma_semaphore, #tpu.memory_space<semaphore_mem>>)
      %scan3A_139 = arith.constant 0 : i32
      %scan3A_140 = arith.constant 0 : i32
      %scan3A_141 = arith.constant 125 : i32
      %scan3A_142 = arith.addi %scan3A_140, %scan3A_141 : i32
      %scan3A_143 = arith.constant 1 : i32
      scf.for %scan3A_211 = %scan3A_140 to %scan3A_142 step %scan3A_143  : i32 {
        %mul3A_212 = arith.constant 16 : i32
        %mul3A_213 = arith.muli %scan3A_211, %mul3A_212 : i32
        %add3A_214 = vector.broadcast %mul3A_213 : i32 to vector<16xi32>
        %add3A_215 = arith.addi %add3A_214, %iota3A : vector<16xi32>
        %broadcast_in_dim3A_216 = arith.constant 0.000000e+00 : f32
        %broadcast_in_dim3A_217 = vector.broadcast %broadcast_in_dim3A_216 : f32 to vector<16xf32>
        %gather3A = tpu.vector_load_idx %arg14[%add3A_215, %broadcast_in_dim3A_14] : memref<2000x8xf32, #tpu.memory_space<vmem>>[vector<16xi32>, vector<16xi32>], vector<16xf32>,
        %gather3A_218 = tpu.vector_load_idx %arg16[%add3A_215, %broadcast_in_dim3A_14] : memref<2000x8xf32, #tpu.memory_space<vmem>>[vector<16xi32>, vector<16xi32>], vector<16xf32>,
        %sub3A = arith.subf %gather3A, %gather3A_218 : vector<16xf32>
        %abs3A = math.absf %sub3A : vector<16xf32>
        %sub3A_219 = arith.subf %get3A_5, %abs3A : vector<16xf32>
        %min3A_220 = arith.minimumf %sub3A_219, %abs3A : vector<16xf32>
        %add3A_221 = arith.constant 9.99999993E-9 : f32
        %add3A_222 = vector.broadcast %add3A_221 : f32 to vector<16xf32>
        %add3A_223 = arith.addf %sub3A, %add3A_222 : vector<16xf32>
        %bitcast3A = vector.bitcast %add3A_223 : vector<16xf32> to vector<16xi32>
        %and3A = arith.constant -2147483648 : i32
        %and3A_224 = vector.broadcast %and3A : i32 to vector<16xi32>
        %and3A_225 = arith.andi %bitcast3A, %and3A_224 : vector<16xi32>
        %abs3A_226 = math.absf %min3A_220 : vector<16xf32>
        %eq3A = arith.cmpf oeq, %abs3A_226, %abs3A : vector<16xf32>
        %xor3A = arith.constant -2147483648 : i32
        %xor3A_227 = vector.broadcast %xor3A : i32 to vector<16xi32>
        %xor3A_228 = arith.xori %and3A_225, %xor3A_227 : vector<16xi32>
        %select_n3A = arith.select %eq3A, %and3A_225, %xor3A_228 : vector<16xi1>, vector<16xi32>
        %bitcast3A_229 = vector.bitcast %min3A_220 : vector<16xf32> to vector<16xi32>
        %xor3A_230 = arith.xori %bitcast3A_229, %select_n3A : vector<16xi32>
        %bitcast3A_231 = vector.bitcast %xor3A_230 : vector<16xi32> to vector<16xf32>
        %mul3A_232 = arith.constant 16 : i32
        %mul3A_233 = arith.muli %scan3A_211, %mul3A_232 : i32
        %swap3A = arith.index_cast %mul3A_233 : i32 to index
        %swap3A_234 = tpu.vector_load %arg20[%swap3A] {strides = array<i32>} : memref<2000xf32, #tpu.memory_space<vmem>>, vector<16xf32>,
        tpu.vector_store %arg20[%swap3A], %bitcast3A_231 {strides = array<i32>} : memref<2000xf32, #tpu.memory_space<vmem>>, vector<16xf32>,
        %add3A_235 = arith.constant 9.99999971E-10 : f32
        %add3A_236 = vector.broadcast %add3A_235 : f32 to vector<16xf32>
        %add3A_237 = arith.addf %sub3A, %add3A_236 : vector<16xf32>
        %mul3A_238 = arith.mulf %add3A_237, %add3A_237 : vector<16xf32>
        %add3A_239 = arith.addf %broadcast_in_dim3A_217, %mul3A_238 : vector<16xf32>
        %gather3A_240 = tpu.vector_load_idx %arg14[%add3A_215, %broadcast_in_dim3A_16] : memref<2000x8xf32, #tpu.memory_space<vmem>>[vector<16xi32>, vector<16xi32>], vector<16xf32>,
        %gather3A_241 = tpu.vector_load_idx %arg16[%add3A_215, %broadcast_in_dim3A_16] : memref<2000x8xf32, #tpu.memory_space<vmem>>[vector<16xi32>, vector<16xi32>], vector<16xf32>,
        %sub3A_242 = arith.subf %gather3A_240, %gather3A_241 : vector<16xf32>
        %abs3A_243 = math.absf %sub3A_242 : vector<16xf32>
        %sub3A_244 = arith.subf %get3A_9, %abs3A_243 : vector<16xf32>
        %min3A_245 = arith.minimumf %sub3A_244, %abs3A_243 : vector<16xf32>
        %add3A_246 = arith.constant 9.99999993E-9 : f32
        %add3A_247 = vector.broadcast %add3A_246 : f32 to vector<16xf32>
        %add3A_248 = arith.addf %sub3A_242, %add3A_247 : vector<16xf32>
        %bitcast3A_249 = vector.bitcast %add3A_248 : vector<16xf32> to vector<16xi32>
        %and3A_250 = arith.constant -2147483648 : i32
        %and3A_251 = vector.broadcast %and3A_250 : i32 to vector<16xi32>
        %and3A_252 = arith.andi %bitcast3A_249, %and3A_251 : vector<16xi32>
        %abs3A_253 = math.absf %min3A_245 : vector<16xf32>
        %eq3A_254 = arith.cmpf oeq, %abs3A_253, %abs3A_243 : vector<16xf32>
        %xor3A_255 = arith.constant -2147483648 : i32
        %xor3A_256 = vector.broadcast %xor3A_255 : i32 to vector<16xi32>
        %xor3A_257 = arith.xori %and3A_252, %xor3A_256 : vector<16xi32>
        %select_n3A_258 = arith.select %eq3A_254, %and3A_252, %xor3A_257 : vector<16xi1>, vector<16xi32>
        %bitcast3A_259 = vector.bitcast %min3A_245 : vector<16xf32> to vector<16xi32>
        %xor3A_260 = arith.xori %bitcast3A_259, %select_n3A_258 : vector<16xi32>
        %bitcast3A_261 = vector.bitcast %xor3A_260 : vector<16xi32> to vector<16xf32>
        %mul3A_262 = arith.constant 16 : i32
        %mul3A_263 = arith.muli %scan3A_211, %mul3A_262 : i32
        %swap3A_264 = arith.index_cast %mul3A_263 : i32 to index
        %swap3A_265 = tpu.vector_load %arg21[%swap3A_264] {strides = array<i32>} : memref<2000xf32, #tpu.memory_space<vmem>>, vector<16xf32>,
        tpu.vector_store %arg21[%swap3A_264], %bitcast3A_261 {strides = array<i32>} : memref<2000xf32, #tpu.memory_space<vmem>>, vector<16xf32>,
        %add3A_266 = arith.constant 9.99999971E-10 : f32
        %add3A_267 = vector.broadcast %add3A_266 : f32 to vector<16xf32>
        %add3A_268 = arith.addf %sub3A_242, %add3A_267 : vector<16xf32>
        %mul3A_269 = arith.mulf %add3A_268, %add3A_268 : vector<16xf32>
        %add3A_270 = arith.addf %add3A_239, %mul3A_269 : vector<16xf32>
        %gather3A_271 = tpu.vector_load_idx %arg14[%add3A_215, %broadcast_in_dim3A_18] : memref<2000x8xf32, #tpu.memory_space<vmem>>[vector<16xi32>, vector<16xi32>], vector<16xf32>,
        %gather3A_272 = tpu.vector_load_idx %arg16[%add3A_215, %broadcast_in_dim3A_18] : memref<2000x8xf32, #tpu.memory_space<vmem>>[vector<16xi32>, vector<16xi32>], vector<16xf32>,
        %sub3A_273 = arith.subf %gather3A_271, %gather3A_272 : vector<16xf32>
        %abs3A_274 = math.absf %sub3A_273 : vector<16xf32>
        %sub3A_275 = arith.subf %get3A_13, %abs3A_274 : vector<16xf32>
        %min3A_276 = arith.minimumf %sub3A_275, %abs3A_274 : vector<16xf32>
        %add3A_277 = arith.constant 9.99999993E-9 : f32
        %add3A_278 = vector.broadcast %add3A_277 : f32 to vector<16xf32>
        %add3A_279 = arith.addf %sub3A_273, %add3A_278 : vector<16xf32>
        %bitcast3A_280 = vector.bitcast %add3A_279 : vector<16xf32> to vector<16xi32>
        %and3A_281 = arith.constant -2147483648 : i32
        %and3A_282 = vector.broadcast %and3A_281 : i32 to vector<16xi32>
        %and3A_283 = arith.andi %bitcast3A_280, %and3A_282 : vector<16xi32>
        %abs3A_284 = math.absf %min3A_276 : vector<16xf32>
        %eq3A_285 = arith.cmpf oeq, %abs3A_284, %abs3A_274 : vector<16xf32>
        %xor3A_286 = arith.constant -2147483648 : i32
        %xor3A_287 = vector.broadcast %xor3A_286 : i32 to vector<16xi32>
        %xor3A_288 = arith.xori %and3A_283, %xor3A_287 : vector<16xi32>
        %select_n3A_289 = arith.select %eq3A_285, %and3A_283, %xor3A_288 : vector<16xi1>, vector<16xi32>
        %bitcast3A_290 = vector.bitcast %min3A_276 : vector<16xf32> to vector<16xi32>
        %xor3A_291 = arith.xori %bitcast3A_290, %select_n3A_289 : vector<16xi32>
        %bitcast3A_292 = vector.bitcast %xor3A_291 : vector<16xi32> to vector<16xf32>
        %mul3A_293 = arith.constant 16 : i32
        %mul3A_294 = arith.muli %scan3A_211, %mul3A_293 : i32
        %swap3A_295 = arith.index_cast %mul3A_294 : i32 to index
        %swap3A_296 = tpu.vector_load %arg22[%swap3A_295] {strides = array<i32>} : memref<2000xf32, #tpu.memory_space<vmem>>, vector<16xf32>,
        tpu.vector_store %arg22[%swap3A_295], %bitcast3A_292 {strides = array<i32>} : memref<2000xf32, #tpu.memory_space<vmem>>, vector<16xf32>,
        %add3A_297 = arith.constant 9.99999971E-10 : f32
        %add3A_298 = vector.broadcast %add3A_297 : f32 to vector<16xf32>
        %add3A_299 = arith.addf %sub3A_273, %add3A_298 : vector<16xf32>
        %mul3A_300 = arith.mulf %add3A_299, %add3A_299 : vector<16xf32>
        %add3A_301 = arith.addf %add3A_270, %mul3A_300 : vector<16xf32>
        %bitcast3A_302 = vector.bitcast %add3A_301 : vector<16xf32> to vector<16xi32>
        %shift_right_arithmetic3A = arith.constant 1 : i32
        %shift_right_arithmetic3A_303 = vector.broadcast %shift_right_arithmetic3A : i32 to vector<16xi32>
        %shift_right_arithmetic3A_304 = arith.shrsi %bitcast3A_302, %shift_right_arithmetic3A_303 : vector<16xi32>
        %sub3A_305 = arith.constant 1597463007 : i32
        %sub3A_306 = vector.broadcast %sub3A_305 : i32 to vector<16xi32>
        %sub3A_307 = arith.subi %sub3A_306, %shift_right_arithmetic3A_304 : vector<16xi32>
        %bitcast3A_308 = vector.bitcast %sub3A_307 : vector<16xi32> to vector<16xf32>
        %mul3A_309 = arith.constant 5.000000e-01 : f32
        %mul3A_310 = vector.broadcast %mul3A_309 : f32 to vector<16xf32>
        %mul3A_311 = arith.mulf %add3A_301, %mul3A_310 : vector<16xf32>
        %mul3A_312 = arith.mulf %mul3A_311, %bitcast3A_308 : vector<16xf32>
        %mul3A_313 = arith.mulf %mul3A_312, %bitcast3A_308 : vector<16xf32>
        %sub3A_314 = arith.constant 1.500000e+00 : f32
        %sub3A_315 = vector.broadcast %sub3A_314 : f32 to vector<16xf32>
        %sub3A_316 = arith.subf %sub3A_315, %mul3A_313 : vector<16xf32>
        %mul3A_317 = arith.mulf %bitcast3A_308, %sub3A_316 : vector<16xf32>
        %mul3A_318 = arith.mulf %mul3A_311, %mul3A_317 : vector<16xf32>
        %mul3A_319 = arith.mulf %mul3A_318, %mul3A_317 : vector<16xf32>
        %sub3A_320 = arith.constant 1.500000e+00 : f32
        %sub3A_321 = vector.broadcast %sub3A_320 : f32 to vector<16xf32>
        %sub3A_322 = arith.subf %sub3A_321, %mul3A_319 : vector<16xf32>
        %mul3A_323 = arith.mulf %mul3A_317, %sub3A_322 : vector<16xf32>
        %mul3A_324 = arith.mulf %add3A_301, %mul3A_323 : vector<16xf32>
        %mul3A_325 = arith.constant 16 : i32
        %mul3A_326 = arith.muli %scan3A_211, %mul3A_325 : i32
        %swap3A_327 = arith.index_cast %mul3A_326 : i32 to index
        %swap3A_328 = tpu.vector_load %arg18[%swap3A_327] {strides = array<i32>} : memref<2000xf32, #tpu.memory_space<vmem>>, vector<16xf32>,
        tpu.vector_store %arg18[%swap3A_327], %mul3A_324 {strides = array<i32>} : memref<2000xf32, #tpu.memory_space<vmem>>, vector<16xf32>,
      }
      %scan3A_144 = arith.constant 125 : i32
      %mul3A_145 = arith.constant 2000 : i32
      %mul3A_146 = arith.muli %mul3A_100, %mul3A_145 : i32
      %add3A_147 = arith.addi %mul3A_2, %mul3A_146 : i32
      %dma_start3A_148 = tpu.memref_slice %arg5[%add3A_147] : memref<6400000xf32, #tpu.memory_space<hbm>> -> memref<2000xf32, #tpu.memory_space<hbm>>
      %dma_start3A_149 = tpu.memref_slice %arg5[%add3A_147] : memref<6400000xf32, #tpu.memory_space<hbm>> -> memref<2000xf32, #tpu.memory_space<hbm>>
      tpu.enqueue_dma source(%arg18 : memref<2000xf32, #tpu.memory_space<vmem>>) target(%dma_start3A_149 : memref<2000xf32, #tpu.memory_space<hbm>>) target_semaphore(%arg30 : memref<!tpu.dma_semaphore, #tpu.memory_space<semaphore_mem>>)
      %dma_start3A_150 = tpu.memref_slice %arg6[%add3A_147] : memref<6400000xf32, #tpu.memory_space<hbm>> -> memref<2000xf32, #tpu.memory_space<hbm>>
      %dma_start3A_151 = tpu.memref_slice %arg6[%add3A_147] : memref<6400000xf32, #tpu.memory_space<hbm>> -> memref<2000xf32, #tpu.memory_space<hbm>>
      tpu.enqueue_dma source(%arg20 : memref<2000xf32, #tpu.memory_space<vmem>>) target(%dma_start3A_151 : memref<2000xf32, #tpu.memory_space<hbm>>) target_semaphore(%arg30 : memref<!tpu.dma_semaphore, #tpu.memory_space<semaphore_mem>>)
      %dma_start3A_152 = tpu.memref_slice %arg7[%add3A_147] : memref<6400000xf32, #tpu.memory_space<hbm>> -> memref<2000xf32, #tpu.memory_space<hbm>>
      %dma_start3A_153 = tpu.memref_slice %arg7[%add3A_147] : memref<6400000xf32, #tpu.memory_space<hbm>> -> memref<2000xf32, #tpu.memory_space<hbm>>
      tpu.enqueue_dma source(%arg21 : memref<2000xf32, #tpu.memory_space<vmem>>) target(%dma_start3A_153 : memref<2000xf32, #tpu.memory_space<hbm>>) target_semaphore(%arg30 : memref<!tpu.dma_semaphore, #tpu.memory_space<semaphore_mem>>)
      %dma_start3A_154 = tpu.memref_slice %arg8[%add3A_147] : memref<6400000xf32, #tpu.memory_space<hbm>> -> memref<2000xf32, #tpu.memory_space<hbm>>
      %dma_start3A_155 = tpu.memref_slice %arg8[%add3A_147] : memref<6400000xf32, #tpu.memory_space<hbm>> -> memref<2000xf32, #tpu.memory_space<hbm>>
      tpu.enqueue_dma source(%arg22 : memref<2000xf32, #tpu.memory_space<vmem>>) target(%dma_start3A_155 : memref<2000xf32, #tpu.memory_space<hbm>>) target_semaphore(%arg30 : memref<!tpu.dma_semaphore, #tpu.memory_space<semaphore_mem>>)
      %dma_wait3A_156 = arith.constant 0 : i32
      %dma_wait3A_157 = tpu.memref_slice %arg3[%dma_wait3A_156] : memref<12800000xi32, #tpu.memory_space<hbm>> -> memref<2000xi32, #tpu.memory_space<hbm>>
      %dma_wait3A_158 = arith.constant 0 : i32
      %dma_wait3A_159 = tpu.memref_slice %arg3[%dma_wait3A_158] : memref<12800000xi32, #tpu.memory_space<hbm>> -> memref<2000xi32, #tpu.memory_space<hbm>>
      tpu.wait_dma2 semaphore(%arg26 : memref<!tpu.dma_semaphore, #tpu.memory_space<semaphore_mem>>) src(%dma_wait3A_159 : memref<2000xi32, #tpu.memory_space<hbm>>) dst(%arg10 : memref<2000xi32, #tpu.memory_space<vmem>>)
      %dma_wait3A_160 = arith.constant 0 : i32
      %dma_wait3A_161 = tpu.memref_slice %arg3[%dma_wait3A_160] : memref<12800000xi32, #tpu.memory_space<hbm>> -> memref<2000xi32, #tpu.memory_space<hbm>>
      %dma_wait3A_162 = arith.constant 0 : i32
      %dma_wait3A_163 = tpu.memref_slice %arg3[%dma_wait3A_162] : memref<12800000xi32, #tpu.memory_space<hbm>> -> memref<2000xi32, #tpu.memory_space<hbm>>
      tpu.wait_dma2 semaphore(%arg26 : memref<!tpu.dma_semaphore, #tpu.memory_space<semaphore_mem>>) src(%dma_wait3A_163 : memref<2000xi32, #tpu.memory_space<hbm>>) dst(%arg12 : memref<2000xi32, #tpu.memory_space<vmem>>)
      %dma_start3A_164 = arith.constant 0 : i32
      %dma_start3A_165 = arith.constant 0 : i32
      %dma_start3A_166 = tpu.memref_slice %arg2[%dma_start3A_164, %dma_start3A_165] : memref<100000x8xf32, #tpu.memory_space<hbm>> -> memref<100000x8xf32, #tpu.memory_space<hbm>>
      tpu.enqueue_indirect_dma source(%dma_start3A_166 : memref<100000x8xf32, #tpu.memory_space<hbm>>) target(%arg14 : memref<2000x8xf32, #tpu.memory_space<vmem>>) offsets(%arg10 : memref<2000xi32, #tpu.memory_space<vmem>>) semaphore(%arg28 : memref<!tpu.dma_semaphore, #tpu.memory_space<semaphore_mem>>)
      %dma_start3A_167 = arith.constant 0 : i32
      %dma_start3A_168 = arith.constant 0 : i32
      %dma_start3A_169 = tpu.memref_slice %arg2[%dma_start3A_167, %dma_start3A_168] : memref<100000x8xf32, #tpu.memory_space<hbm>> -> memref<100000x8xf32, #tpu.memory_space<hbm>>
      tpu.enqueue_indirect_dma source(%dma_start3A_169 : memref<100000x8xf32, #tpu.memory_space<hbm>>) target(%arg16 : memref<2000x8xf32, #tpu.memory_space<vmem>>) offsets(%arg12 : memref<2000xi32, #tpu.memory_space<vmem>>) semaphore(%arg28 : memref<!tpu.dma_semaphore, #tpu.memory_space<semaphore_mem>>)
      %dma_wait3A_170 = arith.constant 0 : i32
      %dma_wait3A_171 = arith.constant 0 : i32
      %dma_wait3A_172 = tpu.memref_slice %arg2[%dma_wait3A_170, %dma_wait3A_171] : memref<100000x8xf32, #tpu.memory_space<hbm>> -> memref<100000x8xf32, #tpu.memory_space<hbm>>
      tpu.wait_indirect_dma semaphore(%arg29 : memref<!tpu.dma_semaphore, #tpu.memory_space<semaphore_mem>>) src(%dma_wait3A_172 : memref<100000x8xf32, #tpu.memory_space<hbm>>) dst(%arg15 : memref<2000x8xf32, #tpu.memory_space<vmem>>)
      %dma_wait3A_173 = arith.constant 0 : i32
      %dma_wait3A_174 = arith.constant 0 : i32
      %dma_wait3A_175 = tpu.memref_slice %arg2[%dma_wait3A_173, %dma_wait3A_174] : memref<100000x8xf32, #tpu.memory_space<hbm>> -> memref<100000x8xf32, #tpu.memory_space<hbm>>
      tpu.wait_indirect_dma semaphore(%arg29 : memref<!tpu.dma_semaphore, #tpu.memory_space<semaphore_mem>>) src(%dma_wait3A_175 : memref<100000x8xf32, #tpu.memory_space<hbm>>) dst(%arg17 : memref<2000x8xf32, #tpu.memory_space<vmem>>)
      %gt3A_176 = arith.constant 0 : i32
      %gt3A_177 = arith.cmpi sgt, %scan3A_98, %gt3A_176 : i32
      %convert_element_type3A_178 = arith.extui %gt3A_177 : i1 to i32
      %cond3A_179 = arith.constant 0 : i32
      %cond3A_180 = arith.cmpi ne, %convert_element_type3A_178, %cond3A_179 : i32
      scf.if %cond3A_180 {
        %dma_wait3A_211 = arith.constant 0 : i32
        %dma_wait3A_212 = tpu.memref_slice %arg5[%dma_wait3A_211] : memref<6400000xf32, #tpu.memory_space<hbm>> -> memref<2000xf32, #tpu.memory_space<hbm>>
        %dma_wait3A_213 = arith.constant 0 : i32
        %dma_wait3A_214 = tpu.memref_slice %arg5[%dma_wait3A_213] : memref<6400000xf32, #tpu.memory_space<hbm>> -> memref<2000xf32, #tpu.memory_space<hbm>>
        tpu.wait_dma2 semaphore(%arg31 : memref<!tpu.dma_semaphore, #tpu.memory_space<semaphore_mem>>) src(%arg19 : memref<2000xf32, #tpu.memory_space<vmem>>) dst(%dma_wait3A_214 : memref<2000xf32, #tpu.memory_space<hbm>>)
        %dma_wait3A_215 = arith.constant 0 : i32
        %dma_wait3A_216 = tpu.memref_slice %arg6[%dma_wait3A_215] : memref<6400000xf32, #tpu.memory_space<hbm>> -> memref<2000xf32, #tpu.memory_space<hbm>>
        %dma_wait3A_217 = arith.constant 0 : i32
        %dma_wait3A_218 = tpu.memref_slice %arg6[%dma_wait3A_217] : memref<6400000xf32, #tpu.memory_space<hbm>> -> memref<2000xf32, #tpu.memory_space<hbm>>
        tpu.wait_dma2 semaphore(%arg31 : memref<!tpu.dma_semaphore, #tpu.memory_space<semaphore_mem>>) src(%arg23 : memref<2000xf32, #tpu.memory_space<vmem>>) dst(%dma_wait3A_218 : memref<2000xf32, #tpu.memory_space<hbm>>)
        %dma_wait3A_219 = arith.constant 0 : i32
        %dma_wait3A_220 = tpu.memref_slice %arg7[%dma_wait3A_219] : memref<6400000xf32, #tpu.memory_space<hbm>> -> memref<2000xf32, #tpu.memory_space<hbm>>
        %dma_wait3A_221 = arith.constant 0 : i32
        %dma_wait3A_222 = tpu.memref_slice %arg7[%dma_wait3A_221] : memref<6400000xf32, #tpu.memory_space<hbm>> -> memref<2000xf32, #tpu.memory_space<hbm>>
        tpu.wait_dma2 semaphore(%arg31 : memref<!tpu.dma_semaphore, #tpu.memory_space<semaphore_mem>>) src(%arg24 : memref<2000xf32, #tpu.memory_space<vmem>>) dst(%dma_wait3A_222 : memref<2000xf32, #tpu.memory_space<hbm>>)
        %dma_wait3A_223 = arith.constant 0 : i32
        %dma_wait3A_224 = tpu.memref_slice %arg8[%dma_wait3A_223] : memref<6400000xf32, #tpu.memory_space<hbm>> -> memref<2000xf32, #tpu.memory_space<hbm>>
        %dma_wait3A_225 = arith.constant 0 : i32
        %dma_wait3A_226 = tpu.memref_slice %arg8[%dma_wait3A_225] : memref<6400000xf32, #tpu.memory_space<hbm>> -> memref<2000xf32, #tpu.memory_space<hbm>>
        tpu.wait_dma2 semaphore(%arg31 : memref<!tpu.dma_semaphore, #tpu.memory_space<semaphore_mem>>) src(%arg25 : memref<2000xf32, #tpu.memory_space<vmem>>) dst(%dma_wait3A_226 : memref<2000xf32, #tpu.memory_space<hbm>>)
      } else {
      }
      %add3A_181 = arith.constant 2 : i32
      %add3A_182 = arith.addi %add3A_104, %add3A_181 : i32
      %min3A_183 = arith.constant 99 : i32
      %min3A_184 = arith.minsi %add3A_182, %min3A_183 : i32
      %mul3A_185 = arith.constant 2000 : i32
      %mul3A_186 = arith.muli %min3A_184, %mul3A_185 : i32
      %add3A_187 = arith.addi %mul3A_2, %mul3A_186 : i32
      %dma_start3A_188 = tpu.memref_slice %arg3[%add3A_187] : memref<12800000xi32, #tpu.memory_space<hbm>> -> memref<2000xi32, #tpu.memory_space<hbm>>
      %dma_start3A_189 = tpu.memref_slice %arg3[%add3A_187] : memref<12800000xi32, #tpu.memory_space<hbm>> -> memref<2000xi32, #tpu.memory_space<hbm>>
      tpu.enqueue_dma source(%dma_start3A_189 : memref<2000xi32, #tpu.memory_space<hbm>>) target(%arg11 : memref<2000xi32, #tpu.memory_space<vmem>>) target_semaphore(%arg27 : memref<!tpu.dma_semaphore, #tpu.memory_space<semaphore_mem>>)
      %add3A_190 = arith.constant 6400000 : i32
      %add3A_191 = arith.addi %add3A_190, %add3A_187 : i32
      %dma_start3A_192 = tpu.memref_slice %arg3[%add3A_191] : memref<12800000xi32, #tpu.memory_space<hbm>> -> memref<2000xi32, #tpu.memory_space<hbm>>
      %dma_start3A_193 = tpu.memref_slice %arg3[%add3A_191] : memref<12800000xi32, #tpu.memory_space<hbm>> -> memref<2000xi32, #tpu.memory_space<hbm>>
      tpu.enqueue_dma source(%dma_start3A_193 : memref<2000xi32, #tpu.memory_space<hbm>>) target(%arg13 : memref<2000xi32, #tpu.memory_space<vmem>>) target_semaphore(%arg27 : memref<!tpu.dma_semaphore, #tpu.memory_space<semaphore_mem>>)
      %scan3A_194 = arith.constant 0 : i32
      %scan3A_195 = arith.constant 0 : i32
      %scan3A_196 = arith.constant 125 : i32
      %scan3A_197 = arith.addi %scan3A_195, %scan3A_196 : i32
      %scan3A_198 = arith.constant 1 : i32
      scf.for %scan3A_211 = %scan3A_195 to %scan3A_197 step %scan3A_198  : i32 {
        %mul3A_212 = arith.constant 16 : i32
        %mul3A_213 = arith.muli %scan3A_211, %mul3A_212 : i32
        %add3A_214 = vector.broadcast %mul3A_213 : i32 to vector<16xi32>
        %add3A_215 = arith.addi %add3A_214, %iota3A : vector<16xi32>
        %broadcast_in_dim3A_216 = arith.constant 0.000000e+00 : f32
        %broadcast_in_dim3A_217 = vector.broadcast %broadcast_in_dim3A_216 : f32 to vector<16xf32>
        %gather3A = tpu.vector_load_idx %arg15[%add3A_215, %broadcast_in_dim3A_14] : memref<2000x8xf32, #tpu.memory_space<vmem>>[vector<16xi32>, vector<16xi32>], vector<16xf32>,
        %gather3A_218 = tpu.vector_load_idx %arg17[%add3A_215, %broadcast_in_dim3A_14] : memref<2000x8xf32, #tpu.memory_space<vmem>>[vector<16xi32>, vector<16xi32>], vector<16xf32>,
        %sub3A = arith.subf %gather3A, %gather3A_218 : vector<16xf32>
        %abs3A = math.absf %sub3A : vector<16xf32>
        %sub3A_219 = arith.subf %get3A_5, %abs3A : vector<16xf32>
        %min3A_220 = arith.minimumf %sub3A_219, %abs3A : vector<16xf32>
        %add3A_221 = arith.constant 9.99999993E-9 : f32
        %add3A_222 = vector.broadcast %add3A_221 : f32 to vector<16xf32>
        %add3A_223 = arith.addf %sub3A, %add3A_222 : vector<16xf32>
        %bitcast3A = vector.bitcast %add3A_223 : vector<16xf32> to vector<16xi32>
        %and3A = arith.constant -2147483648 : i32
        %and3A_224 = vector.broadcast %and3A : i32 to vector<16xi32>
        %and3A_225 = arith.andi %bitcast3A, %and3A_224 : vector<16xi32>
        %abs3A_226 = math.absf %min3A_220 : vector<16xf32>
        %eq3A = arith.cmpf oeq, %abs3A_226, %abs3A : vector<16xf32>
        %xor3A = arith.constant -2147483648 : i32
        %xor3A_227 = vector.broadcast %xor3A : i32 to vector<16xi32>
        %xor3A_228 = arith.xori %and3A_225, %xor3A_227 : vector<16xi32>
        %select_n3A = arith.select %eq3A, %and3A_225, %xor3A_228 : vector<16xi1>, vector<16xi32>
        %bitcast3A_229 = vector.bitcast %min3A_220 : vector<16xf32> to vector<16xi32>
        %xor3A_230 = arith.xori %bitcast3A_229, %select_n3A : vector<16xi32>
        %bitcast3A_231 = vector.bitcast %xor3A_230 : vector<16xi32> to vector<16xf32>
        %mul3A_232 = arith.constant 16 : i32
        %mul3A_233 = arith.muli %scan3A_211, %mul3A_232 : i32
        %swap3A = arith.index_cast %mul3A_233 : i32 to index
        %swap3A_234 = tpu.vector_load %arg23[%swap3A] {strides = array<i32>} : memref<2000xf32, #tpu.memory_space<vmem>>, vector<16xf32>,
        tpu.vector_store %arg23[%swap3A], %bitcast3A_231 {strides = array<i32>} : memref<2000xf32, #tpu.memory_space<vmem>>, vector<16xf32>,
        %add3A_235 = arith.constant 9.99999971E-10 : f32
        %add3A_236 = vector.broadcast %add3A_235 : f32 to vector<16xf32>
        %add3A_237 = arith.addf %sub3A, %add3A_236 : vector<16xf32>
        %mul3A_238 = arith.mulf %add3A_237, %add3A_237 : vector<16xf32>
        %add3A_239 = arith.addf %broadcast_in_dim3A_217, %mul3A_238 : vector<16xf32>
        %gather3A_240 = tpu.vector_load_idx %arg15[%add3A_215, %broadcast_in_dim3A_16] : memref<2000x8xf32, #tpu.memory_space<vmem>>[vector<16xi32>, vector<16xi32>], vector<16xf32>,
        %gather3A_241 = tpu.vector_load_idx %arg17[%add3A_215, %broadcast_in_dim3A_16] : memref<2000x8xf32, #tpu.memory_space<vmem>>[vector<16xi32>, vector<16xi32>], vector<16xf32>,
        %sub3A_242 = arith.subf %gather3A_240, %gather3A_241 : vector<16xf32>
        %abs3A_243 = math.absf %sub3A_242 : vector<16xf32>
        %sub3A_244 = arith.subf %get3A_9, %abs3A_243 : vector<16xf32>
        %min3A_245 = arith.minimumf %sub3A_244, %abs3A_243 : vector<16xf32>
        %add3A_246 = arith.constant 9.99999993E-9 : f32
        %add3A_247 = vector.broadcast %add3A_246 : f32 to vector<16xf32>
        %add3A_248 = arith.addf %sub3A_242, %add3A_247 : vector<16xf32>
        %bitcast3A_249 = vector.bitcast %add3A_248 : vector<16xf32> to vector<16xi32>
        %and3A_250 = arith.constant -2147483648 : i32
        %and3A_251 = vector.broadcast %and3A_250 : i32 to vector<16xi32>
        %and3A_252 = arith.andi %bitcast3A_249, %and3A_251 : vector<16xi32>
        %abs3A_253 = math.absf %min3A_245 : vector<16xf32>
        %eq3A_254 = arith.cmpf oeq, %abs3A_253, %abs3A_243 : vector<16xf32>
        %xor3A_255 = arith.constant -2147483648 : i32
        %xor3A_256 = vector.broadcast %xor3A_255 : i32 to vector<16xi32>
        %xor3A_257 = arith.xori %and3A_252, %xor3A_256 : vector<16xi32>
        %select_n3A_258 = arith.select %eq3A_254, %and3A_252, %xor3A_257 : vector<16xi1>, vector<16xi32>
        %bitcast3A_259 = vector.bitcast %min3A_245 : vector<16xf32> to vector<16xi32>
        %xor3A_260 = arith.xori %bitcast3A_259, %select_n3A_258 : vector<16xi32>
        %bitcast3A_261 = vector.bitcast %xor3A_260 : vector<16xi32> to vector<16xf32>
        %mul3A_262 = arith.constant 16 : i32
        %mul3A_263 = arith.muli %scan3A_211, %mul3A_262 : i32
        %swap3A_264 = arith.index_cast %mul3A_263 : i32 to index
        %swap3A_265 = tpu.vector_load %arg24[%swap3A_264] {strides = array<i32>} : memref<2000xf32, #tpu.memory_space<vmem>>, vector<16xf32>,
        tpu.vector_store %arg24[%swap3A_264], %bitcast3A_261 {strides = array<i32>} : memref<2000xf32, #tpu.memory_space<vmem>>, vector<16xf32>,
        %add3A_266 = arith.constant 9.99999971E-10 : f32
        %add3A_267 = vector.broadcast %add3A_266 : f32 to vector<16xf32>
        %add3A_268 = arith.addf %sub3A_242, %add3A_267 : vector<16xf32>
        %mul3A_269 = arith.mulf %add3A_268, %add3A_268 : vector<16xf32>
        %add3A_270 = arith.addf %add3A_239, %mul3A_269 : vector<16xf32>
        %gather3A_271 = tpu.vector_load_idx %arg15[%add3A_215, %broadcast_in_dim3A_18] : memref<2000x8xf32, #tpu.memory_space<vmem>>[vector<16xi32>, vector<16xi32>], vector<16xf32>,
        %gather3A_272 = tpu.vector_load_idx %arg17[%add3A_215, %broadcast_in_dim3A_18] : memref<2000x8xf32, #tpu.memory_space<vmem>>[vector<16xi32>, vector<16xi32>], vector<16xf32>,
        %sub3A_273 = arith.subf %gather3A_271, %gather3A_272 : vector<16xf32>
        %abs3A_274 = math.absf %sub3A_273 : vector<16xf32>
        %sub3A_275 = arith.subf %get3A_13, %abs3A_274 : vector<16xf32>
        %min3A_276 = arith.minimumf %sub3A_275, %abs3A_274 : vector<16xf32>
        %add3A_277 = arith.constant 9.99999993E-9 : f32
        %add3A_278 = vector.broadcast %add3A_277 : f32 to vector<16xf32>
        %add3A_279 = arith.addf %sub3A_273, %add3A_278 : vector<16xf32>
        %bitcast3A_280 = vector.bitcast %add3A_279 : vector<16xf32> to vector<16xi32>
        %and3A_281 = arith.constant -2147483648 : i32
        %and3A_282 = vector.broadcast %and3A_281 : i32 to vector<16xi32>
        %and3A_283 = arith.andi %bitcast3A_280, %and3A_282 : vector<16xi32>
        %abs3A_284 = math.absf %min3A_276 : vector<16xf32>
        %eq3A_285 = arith.cmpf oeq, %abs3A_284, %abs3A_274 : vector<16xf32>
        %xor3A_286 = arith.constant -2147483648 : i32
        %xor3A_287 = vector.broadcast %xor3A_286 : i32 to vector<16xi32>
        %xor3A_288 = arith.xori %and3A_283, %xor3A_287 : vector<16xi32>
        %select_n3A_289 = arith.select %eq3A_285, %and3A_283, %xor3A_288 : vector<16xi1>, vector<16xi32>
        %bitcast3A_290 = vector.bitcast %min3A_276 : vector<16xf32> to vector<16xi32>
        %xor3A_291 = arith.xori %bitcast3A_290, %select_n3A_289 : vector<16xi32>
        %bitcast3A_292 = vector.bitcast %xor3A_291 : vector<16xi32> to vector<16xf32>
        %mul3A_293 = arith.constant 16 : i32
        %mul3A_294 = arith.muli %scan3A_211, %mul3A_293 : i32
        %swap3A_295 = arith.index_cast %mul3A_294 : i32 to index
        %swap3A_296 = tpu.vector_load %arg25[%swap3A_295] {strides = array<i32>} : memref<2000xf32, #tpu.memory_space<vmem>>, vector<16xf32>,
        tpu.vector_store %arg25[%swap3A_295], %bitcast3A_292 {strides = array<i32>} : memref<2000xf32, #tpu.memory_space<vmem>>, vector<16xf32>,
        %add3A_297 = arith.constant 9.99999971E-10 : f32
        %add3A_298 = vector.broadcast %add3A_297 : f32 to vector<16xf32>
        %add3A_299 = arith.addf %sub3A_273, %add3A_298 : vector<16xf32>
        %mul3A_300 = arith.mulf %add3A_299, %add3A_299 : vector<16xf32>
        %add3A_301 = arith.addf %add3A_270, %mul3A_300 : vector<16xf32>
        %bitcast3A_302 = vector.bitcast %add3A_301 : vector<16xf32> to vector<16xi32>
        %shift_right_arithmetic3A = arith.constant 1 : i32
        %shift_right_arithmetic3A_303 = vector.broadcast %shift_right_arithmetic3A : i32 to vector<16xi32>
        %shift_right_arithmetic3A_304 = arith.shrsi %bitcast3A_302, %shift_right_arithmetic3A_303 : vector<16xi32>
        %sub3A_305 = arith.constant 1597463007 : i32
        %sub3A_306 = vector.broadcast %sub3A_305 : i32 to vector<16xi32>
        %sub3A_307 = arith.subi %sub3A_306, %shift_right_arithmetic3A_304 : vector<16xi32>
        %bitcast3A_308 = vector.bitcast %sub3A_307 : vector<16xi32> to vector<16xf32>
        %mul3A_309 = arith.constant 5.000000e-01 : f32
        %mul3A_310 = vector.broadcast %mul3A_309 : f32 to vector<16xf32>
        %mul3A_311 = arith.mulf %add3A_301, %mul3A_310 : vector<16xf32>
        %mul3A_312 = arith.mulf %mul3A_311, %bitcast3A_308 : vector<16xf32>
        %mul3A_313 = arith.mulf %mul3A_312, %bitcast3A_308 : vector<16xf32>
        %sub3A_314 = arith.constant 1.500000e+00 : f32
        %sub3A_315 = vector.broadcast %sub3A_314 : f32 to vector<16xf32>
        %sub3A_316 = arith.subf %sub3A_315, %mul3A_313 : vector<16xf32>
        %mul3A_317 = arith.mulf %bitcast3A_308, %sub3A_316 : vector<16xf32>
        %mul3A_318 = arith.mulf %mul3A_311, %mul3A_317 : vector<16xf32>
        %mul3A_319 = arith.mulf %mul3A_318, %mul3A_317 : vector<16xf32>
        %sub3A_320 = arith.constant 1.500000e+00 : f32
        %sub3A_321 = vector.broadcast %sub3A_320 : f32 to vector<16xf32>
        %sub3A_322 = arith.subf %sub3A_321, %mul3A_319 : vector<16xf32>
        %mul3A_323 = arith.mulf %mul3A_317, %sub3A_322 : vector<16xf32>
        %mul3A_324 = arith.mulf %add3A_301, %mul3A_323 : vector<16xf32>
        %mul3A_325 = arith.constant 16 : i32
        %mul3A_326 = arith.muli %scan3A_211, %mul3A_325 : i32
        %swap3A_327 = arith.index_cast %mul3A_326 : i32 to index
        %swap3A_328 = tpu.vector_load %arg19[%swap3A_327] {strides = array<i32>} : memref<2000xf32, #tpu.memory_space<vmem>>, vector<16xf32>,
        tpu.vector_store %arg19[%swap3A_327], %mul3A_324 {strides = array<i32>} : memref<2000xf32, #tpu.memory_space<vmem>>, vector<16xf32>,
      }
      %scan3A_199 = arith.constant 125 : i32
      %mul3A_200 = arith.constant 2000 : i32
      %mul3A_201 = arith.muli %add3A_104, %mul3A_200 : i32
      %add3A_202 = arith.addi %mul3A_2, %mul3A_201 : i32
      %dma_start3A_203 = tpu.memref_slice %arg5[%add3A_202] : memref<6400000xf32, #tpu.memory_space<hbm>> -> memref<2000xf32, #tpu.memory_space<hbm>>
      %dma_start3A_204 = tpu.memref_slice %arg5[%add3A_202] : memref<6400000xf32, #tpu.memory_space<hbm>> -> memref<2000xf32, #tpu.memory_space<hbm>>
      tpu.enqueue_dma source(%arg19 : memref<2000xf32, #tpu.memory_space<vmem>>) target(%dma_start3A_204 : memref<2000xf32, #tpu.memory_space<hbm>>) target_semaphore(%arg31 : memref<!tpu.dma_semaphore, #tpu.memory_space<semaphore_mem>>)
      %dma_start3A_205 = tpu.memref_slice %arg6[%add3A_202] : memref<6400000xf32, #tpu.memory_space<hbm>> -> memref<2000xf32, #tpu.memory_space<hbm>>
      %dma_start3A_206 = tpu.memref_slice %arg6[%add3A_202] : memref<6400000xf32, #tpu.memory_space<hbm>> -> memref<2000xf32, #tpu.memory_space<hbm>>
      tpu.enqueue_dma source(%arg23 : memref<2000xf32, #tpu.memory_space<vmem>>) target(%dma_start3A_206 : memref<2000xf32, #tpu.memory_space<hbm>>) target_semaphore(%arg31 : memref<!tpu.dma_semaphore, #tpu.memory_space<semaphore_mem>>)
      %dma_start3A_207 = tpu.memref_slice %arg7[%add3A_202] : memref<6400000xf32, #tpu.memory_space<hbm>> -> memref<2000xf32, #tpu.memory_space<hbm>>
      %dma_start3A_208 = tpu.memref_slice %arg7[%add3A_202] : memref<6400000xf32, #tpu.memory_space<hbm>> -> memref<2000xf32, #tpu.memory_space<hbm>>
      tpu.enqueue_dma source(%arg24 : memref<2000xf32, #tpu.memory_space<vmem>>) target(%dma_start3A_208 : memref<2000xf32, #tpu.memory_space<hbm>>) target_semaphore(%arg31 : memref<!tpu.dma_semaphore, #tpu.memory_space<semaphore_mem>>)
      %dma_start3A_209 = tpu.memref_slice %arg8[%add3A_202] : memref<6400000xf32, #tpu.memory_space<hbm>> -> memref<2000xf32, #tpu.memory_space<hbm>>
      %dma_start3A_210 = tpu.memref_slice %arg8[%add3A_202] : memref<6400000xf32, #tpu.memory_space<hbm>> -> memref<2000xf32, #tpu.memory_space<hbm>>
      tpu.enqueue_dma source(%arg25 : memref<2000xf32, #tpu.memory_space<vmem>>) target(%dma_start3A_210 : memref<2000xf32, #tpu.memory_space<hbm>>) target_semaphore(%arg31 : memref<!tpu.dma_semaphore, #tpu.memory_space<semaphore_mem>>)
    }
    %scan3A_51 = arith.constant 50 : i32
    %dma_wait3A_52 = arith.constant 0 : i32
    %dma_wait3A_53 = tpu.memref_slice %arg3[%dma_wait3A_52] : memref<12800000xi32, #tpu.memory_space<hbm>> -> memref<2000xi32, #tpu.memory_space<hbm>>
    %dma_wait3A_54 = arith.constant 0 : i32
    %dma_wait3A_55 = tpu.memref_slice %arg3[%dma_wait3A_54] : memref<12800000xi32, #tpu.memory_space<hbm>> -> memref<2000xi32, #tpu.memory_space<hbm>>
    tpu.wait_dma2 semaphore(%arg27 : memref<!tpu.dma_semaphore, #tpu.memory_space<semaphore_mem>>) src(%dma_wait3A_55 : memref<2000xi32, #tpu.memory_space<hbm>>) dst(%arg11 : memref<2000xi32, #tpu.memory_space<vmem>>)
    %dma_wait3A_56 = arith.constant 0 : i32
    %dma_wait3A_57 = tpu.memref_slice %arg3[%dma_wait3A_56] : memref<12800000xi32, #tpu.memory_space<hbm>> -> memref<2000xi32, #tpu.memory_space<hbm>>
    %dma_wait3A_58 = arith.constant 0 : i32
    %dma_wait3A_59 = tpu.memref_slice %arg3[%dma_wait3A_58] : memref<12800000xi32, #tpu.memory_space<hbm>> -> memref<2000xi32, #tpu.memory_space<hbm>>
    tpu.wait_dma2 semaphore(%arg27 : memref<!tpu.dma_semaphore, #tpu.memory_space<semaphore_mem>>) src(%dma_wait3A_59 : memref<2000xi32, #tpu.memory_space<hbm>>) dst(%arg13 : memref<2000xi32, #tpu.memory_space<vmem>>)
    %dma_wait3A_60 = arith.constant 0 : i32
    %dma_wait3A_61 = arith.constant 0 : i32
    %dma_wait3A_62 = tpu.memref_slice %arg2[%dma_wait3A_60, %dma_wait3A_61] : memref<100000x8xf32, #tpu.memory_space<hbm>> -> memref<100000x8xf32, #tpu.memory_space<hbm>>
    tpu.wait_indirect_dma semaphore(%arg28 : memref<!tpu.dma_semaphore, #tpu.memory_space<semaphore_mem>>) src(%dma_wait3A_62 : memref<100000x8xf32, #tpu.memory_space<hbm>>) dst(%arg14 : memref<2000x8xf32, #tpu.memory_space<vmem>>)
    %dma_wait3A_63 = arith.constant 0 : i32
    %dma_wait3A_64 = arith.constant 0 : i32
    %dma_wait3A_65 = tpu.memref_slice %arg2[%dma_wait3A_63, %dma_wait3A_64] : memref<100000x8xf32, #tpu.memory_space<hbm>> -> memref<100000x8xf32, #tpu.memory_space<hbm>>
    tpu.wait_indirect_dma semaphore(%arg28 : memref<!tpu.dma_semaphore, #tpu.memory_space<semaphore_mem>>) src(%dma_wait3A_65 : memref<100000x8xf32, #tpu.memory_space<hbm>>) dst(%arg16 : memref<2000x8xf32, #tpu.memory_space<vmem>>)
    %dma_wait3A_66 = arith.constant 0 : i32
    %dma_wait3A_67 = tpu.memref_slice %arg5[%dma_wait3A_66] : memref<6400000xf32, #tpu.memory_space<hbm>> -> memref<2000xf32, #tpu.memory_space<hbm>>
    %dma_wait3A_68 = arith.constant 0 : i32
    %dma_wait3A_69 = tpu.memref_slice %arg5[%dma_wait3A_68] : memref<6400000xf32, #tpu.memory_space<hbm>> -> memref<2000xf32, #tpu.memory_space<hbm>>
    tpu.wait_dma2 semaphore(%arg30 : memref<!tpu.dma_semaphore, #tpu.memory_space<semaphore_mem>>) src(%arg18 : memref<2000xf32, #tpu.memory_space<vmem>>) dst(%dma_wait3A_69 : memref<2000xf32, #tpu.memory_space<hbm>>)
    %dma_wait3A_70 = arith.constant 0 : i32
    %dma_wait3A_71 = tpu.memref_slice %arg6[%dma_wait3A_70] : memref<6400000xf32, #tpu.memory_space<hbm>> -> memref<2000xf32, #tpu.memory_space<hbm>>
    %dma_wait3A_72 = arith.constant 0 : i32
    %dma_wait3A_73 = tpu.memref_slice %arg6[%dma_wait3A_72] : memref<6400000xf32, #tpu.memory_space<hbm>> -> memref<2000xf32, #tpu.memory_space<hbm>>
    tpu.wait_dma2 semaphore(%arg30 : memref<!tpu.dma_semaphore, #tpu.memory_space<semaphore_mem>>) src(%arg20 : memref<2000xf32, #tpu.memory_space<vmem>>) dst(%dma_wait3A_73 : memref<2000xf32, #tpu.memory_space<hbm>>)
    %dma_wait3A_74 = arith.constant 0 : i32
    %dma_wait3A_75 = tpu.memref_slice %arg7[%dma_wait3A_74] : memref<6400000xf32, #tpu.memory_space<hbm>> -> memref<2000xf32, #tpu.memory_space<hbm>>
    %dma_wait3A_76 = arith.constant 0 : i32
    %dma_wait3A_77 = tpu.memref_slice %arg7[%dma_wait3A_76] : memref<6400000xf32, #tpu.memory_space<hbm>> -> memref<2000xf32, #tpu.memory_space<hbm>>
    tpu.wait_dma2 semaphore(%arg30 : memref<!tpu.dma_semaphore, #tpu.memory_space<semaphore_mem>>) src(%arg21 : memref<2000xf32, #tpu.memory_space<vmem>>) dst(%dma_wait3A_77 : memref<2000xf32, #tpu.memory_space<hbm>>)
    %dma_wait3A_78 = arith.constant 0 : i32
    %dma_wait3A_79 = tpu.memref_slice %arg8[%dma_wait3A_78] : memref<6400000xf32, #tpu.memory_space<hbm>> -> memref<2000xf32, #tpu.memory_space<hbm>>
    %dma_wait3A_80 = arith.constant 0 : i32
    %dma_wait3A_81 = tpu.memref_slice %arg8[%dma_wait3A_80] : memref<6400000xf32, #tpu.memory_space<hbm>> -> memref<2000xf32, #tpu.memory_space<hbm>>
    tpu.wait_dma2 semaphore(%arg30 : memref<!tpu.dma_semaphore, #tpu.memory_space<semaphore_mem>>) src(%arg22 : memref<2000xf32, #tpu.memory_space<vmem>>) dst(%dma_wait3A_81 : memref<2000xf32, #tpu.memory_space<hbm>>)
    %dma_wait3A_82 = arith.constant 0 : i32
    %dma_wait3A_83 = tpu.memref_slice %arg5[%dma_wait3A_82] : memref<6400000xf32, #tpu.memory_space<hbm>> -> memref<2000xf32, #tpu.memory_space<hbm>>
    %dma_wait3A_84 = arith.constant 0 : i32
    %dma_wait3A_85 = tpu.memref_slice %arg5[%dma_wait3A_84] : memref<6400000xf32, #tpu.memory_space<hbm>> -> memref<2000xf32, #tpu.memory_space<hbm>>
    tpu.wait_dma2 semaphore(%arg31 : memref<!tpu.dma_semaphore, #tpu.memory_space<semaphore_mem>>) src(%arg19 : memref<2000xf32, #tpu.memory_space<vmem>>) dst(%dma_wait3A_85 : memref<2000xf32, #tpu.memory_space<hbm>>)
    %dma_wait3A_86 = arith.constant 0 : i32
    %dma_wait3A_87 = tpu.memref_slice %arg6[%dma_wait3A_86] : memref<6400000xf32, #tpu.memory_space<hbm>> -> memref<2000xf32, #tpu.memory_space<hbm>>
    %dma_wait3A_88 = arith.constant 0 : i32
    %dma_wait3A_89 = tpu.memref_slice %arg6[%dma_wait3A_88] : memref<6400000xf32, #tpu.memory_space<hbm>> -> memref<2000xf32, #tpu.memory_space<hbm>>
    tpu.wait_dma2 semaphore(%arg31 : memref<!tpu.dma_semaphore, #tpu.memory_space<semaphore_mem>>) src(%arg23 : memref<2000xf32, #tpu.memory_space<vmem>>) dst(%dma_wait3A_89 : memref<2000xf32, #tpu.memory_space<hbm>>)
    %dma_wait3A_90 = arith.constant 0 : i32
    %dma_wait3A_91 = tpu.memref_slice %arg7[%dma_wait3A_90] : memref<6400000xf32, #tpu.memory_space<hbm>> -> memref<2000xf32, #tpu.memory_space<hbm>>
    %dma_wait3A_92 = arith.constant 0 : i32
    %dma_wait3A_93 = tpu.memref_slice %arg7[%dma_wait3A_92] : memref<6400000xf32, #tpu.memory_space<hbm>> -> memref<2000xf32, #tpu.memory_space<hbm>>
    tpu.wait_dma2 semaphore(%arg31 : memref<!tpu.dma_semaphore, #tpu.memory_space<semaphore_mem>>) src(%arg24 : memref<2000xf32, #tpu.memory_space<vmem>>) dst(%dma_wait3A_93 : memref<2000xf32, #tpu.memory_space<hbm>>)
    %dma_wait3A_94 = arith.constant 0 : i32
    %dma_wait3A_95 = tpu.memref_slice %arg8[%dma_wait3A_94] : memref<6400000xf32, #tpu.memory_space<hbm>> -> memref<2000xf32, #tpu.memory_space<hbm>>
    %dma_wait3A_96 = arith.constant 0 : i32
    %dma_wait3A_97 = tpu.memref_slice %arg8[%dma_wait3A_96] : memref<6400000xf32, #tpu.memory_space<hbm>> -> memref<2000xf32, #tpu.memory_space<hbm>>
    tpu.wait_dma2 semaphore(%arg31 : memref<!tpu.dma_semaphore, #tpu.memory_space<semaphore_mem>>) src(%arg25 : memref<2000xf32, #tpu.memory_space<vmem>>) dst(%dma_wait3A_97 : memref<2000xf32, #tpu.memory_space<hbm>>)
    return
  }
}

</mosaic_0001>

<sc_bundles>
// kernel: kernel.4.cloned.1.call-start
scs
__scs_entry_jumppad:
0x0: {  	(pc) =	sbr.rel $0x88, $3  }
0x1: {  	(tag) =	ssettag $0x0;
	lr =	simm.s32 $0x1  }
0x2: {  	[smem:$0x3F9E] =	sst lr;
	_ =	strace $0xD0000000  }
0x3: {  	_ = 	snop  }
0x4: {  	_ = 	snop  }
0x5: {  	_ = 	snop  }
0x6: {  	_ = 	snop  }
0x7: {  	_ = 	snop  }
__scs_overlays_trampoline_lowered:
0x8: {  	[smem:$0x3FAD] =	sst s0  }
0x9: {  	[smem:$0x3FAE] =	sst s1  }
0xa: {  	[smem:$0x3FAF] =	sst s2  }
0xb: {  	[smem:$0x3FB0] =	sst s3  }
0xc: {  	[smem:$0x3FB1] =	sst s4  }
0xd: {  	[smem:$0x3FB2] =	sst s5  }
0xe: {  	[smem:$0x3FB3] =	sst s6  }
0xf: {  	[smem:$0x3FB4] =	sst s7  }
0x10: {  	[smem:$0x3FB5] =	sst s8  }
0x11: {  	[smem:$0x3FB6] =	sst s9;
	s0 =	simm.s32 @!p0 $0x0  }
0x12: {  	s1 =	sld [smem:$0x3F9C];
	s0 =	simm.s32 @p0 $0x1  }
0x13: {  	[smem:$0x3FB7] =	sst s0;
	s0 =	simm.s32 @!p1 $0x0  }
0x14: {  	s2 =	sld [smem:$0x3F9B];
	s0 =	simm.s32 @p1 $0x1  }
0x15: {  	[smem:$0x3FB8] =	sst s0;
	s0 =	simm.s32 @!p2 $0x0  }
0x16: {  	s3 =	sld [smem:$0x3FDB];
	s0 =	simm.s32 @p2 $0x1  }
0x17: {  	s4 =	simm.s32 $0x1BF5;
	[smem:$0x3FBA] =	sst s0  }
0x18: {  	s0 =	sld [smem:$0x3F9D];
	_ =	swait.ge [sflag:s4], $0x0  }
0x19: {  	s7 =	sld [smem:$0x3F9E]  }
0x1a: {  	s8 =	sadd.s32 $0xFFFFE003, lr  }
0x1b: {  	s9 =	sadd.s32 $0xFFFFFEF7, lr;
	s5 =	simm.s32 $0xFFFFFFFF;
	p2 =	slt.u32 s8, $0xFFFFF086  }
0x1c: {  	p1 =	slt.u32 s9, $0xF7A;
	s5 =	simm.s32 @!p2 $0x0  }
0x1d: {  	s5 =	simm.s32 @p1 $0x1;
	p0 =	seq.s32 s7, s2  }
0x1e: {  	s7 =	smul.u32 @!p0 $0xF7A, s2;
	p2 =	seq.s32 @!p0 s5, $0x0  }
0x1f: {  	s9 =	smul.u32 $0xF7A, s1;
	s8 =	simm.s32 @!p0 $0x1BF5;
	p2 =	por !p2, p0  }
0x20: {  	[sflag:s8] =	ssyncset.s32 @!p0 $0xFFFFF086;
	s6 =	sadd.s32 @!p0 s3, s7;
	s7 =	simm.s32 @!p0 $0x108  }
0x21: {  	s3 =	sadd.s32 s3, s9;
	s6 =	sadd.s32 @!p0 $0x88, s6;
	s7 =	simm.s32 @p2 $0x1082  }
0x22: {  	[simem:s7], [sflag:s8] =	dma.local @!p0 [hbm:s6], $0xF7A  }
0x23: {  	s9 =	sor.u32 $0xD0000000, s2;
	s6 =	simm.s32 $0x108;
	_ =	swait.ge @!p0 [sflag:s8], $0x0  }
0x24: {  	s3 =	sadd.s32 $0x88, s3;
	s6 =	simm.s32 @!p1 $0x1082;
	[sflag:s4] =	ssyncset.s32 $0xFFFFF086  }
0x25: {  	[simem:s6], [sflag:s4] =	dma.local [hbm:s3], $0xF7A  }
0x26: {  	[smem:$0x3F9E] =	sst s1;
	(tag) =	ssettag s2;
	_ =	strace s9  }
0x27: {  	s1 =	sld [smem:$0x3FAE]  }
0x28: {  	s2 =	sld [smem:$0x3FAF]  }
0x29: {  	s4 =	sld [smem:$0x3FB1]  }
0x2a: {  	p0 =	seq.s32 s5, $0x0;
	s5 =	sld [smem:$0x3FB2]  }
0x2b: {  	s6 =	sld [smem:$0x3FB3]  }
0x2c: {  	s7 =	sld [smem:$0x3FB4]  }
0x2d: {  	s3 =	simm.s32 $0x108;
	s8 =	sld [smem:$0x3FB5]  }
0x2e: {  	s3 =	simm.s32 @!p0 $0x1082;
	s9 =	sld [smem:$0x3FB6]  }
0x2f: {  	lr =	sadd.s32 s0, s3;
	s0 =	sld [smem:$0x3FAD]  }
0x30: {  	s3 =	sld [smem:$0x3FB0]  }
0x31: {  	[smem:$0x3FB9] =	sst s10  }
0x32: {  	s10 =	sld [smem:$0x3FB7];
	_ =	sdelay $0x3  }
0x33: {  	p0 =	seq.s32 s10, $0x1;
	s10 =	sld [smem:$0x3FB9];
	_ =	sdelay $0x3  }
0x34: {  	[smem:$0x3FB9] =	sst s10  }
0x35: {  	s10 =	sld [smem:$0x3FB8];
	_ =	sdelay $0x3  }
0x36: {  	p1 =	seq.s32 s10, $0x1;
	s10 =	sld [smem:$0x3FB9];
	_ =	sdelay $0x3  }
0x37: {  	[smem:$0x3FB9] =	sst s10  }
0x38: {  	s10 =	sld [smem:$0x3FBA]  }
0x39: {  	_ = 	snop;
	(pc) =	sbr.ind lr, $3  }
0x3a: {  	_ = 	snop  }
0x3b: {  	_ = 	snop  }
0x3c: {  	p2 =	seq.s32 s10, $0x1;
	s10 =	sld [smem:$0x3FB9]  }
0x3d: {  	_ =	shalt  }
0x3e: {  	_ =	shalt  }
0x3f: {  	_ =	shalt  }
0x40: {  	_ =	shalt  }
0x41: {  	_ =	shalt  }
0x42: {  	_ =	shalt  }
0x43: {  	_ =	shalt  }
0x44: {  	_ =	shalt  }
0x45: {  	_ =	shalt  }
0x46: {  	_ =	shalt  }
0x47: {  	_ =	shalt  }
0x48: {  	_ =	shalt  }
0x49: {  	_ =	shalt  }
0x4a: {  	_ =	shalt  }
0x4b: {  	_ =	shalt  }
0x4c: {  	_ =	shalt  }
0x4d: {  	_ =	shalt  }
0x4e: {  	_ =	shalt  }
0x4f: {  	_ =	shalt  }
0x50: {  	_ =	shalt  }
0x51: {  	_ =	shalt  }
0x52: {  	_ =	shalt  }
0x53: {  	_ =	shalt  }
0x54: {  	_ =	shalt  }
0x55: {  	_ =	shalt  }
0x56: {  	_ =	shalt  }
0x57: {  	_ =	shalt  }
0x58: {  	_ =	shalt  }
0x59: {  	_ =	shalt  }
0x5a: {  	_ =	shalt  }
0x5b: {  	_ =	shalt  }
0x5c: {  	_ =	shalt  }
0x5d: {  	_ =	shalt  }
0x5e: {  	_ =	shalt  }
0x5f: {  	_ =	shalt  }
0x60: {  	_ =	shalt  }
0x61: {  	_ =	shalt  }
0x62: {  	_ =	shalt  }
0x63: {  	_ =	shalt  }
0x64: {  	_ =	shalt  }
0x65: {  	_ =	shalt  }
0x66: {  	_ =	shalt  }
0x67: {  	_ =	shalt  }
0x68: {  	_ =	shalt  }
0x69: {  	_ =	shalt  }
0x6a: {  	_ =	shalt  }
0x6b: {  	_ =	shalt  }
0x6c: {  	_ =	shalt  }
0x6d: {  	_ =	shalt  }
0x6e: {  	_ =	shalt  }
0x6f: {  	_ =	shalt  }
0x70: {  	_ =	shalt  }
0x71: {  	_ =	shalt  }
0x72: {  	_ =	shalt  }
0x73: {  	_ =	shalt  }
0x74: {  	_ =	shalt  }
0x75: {  	_ =	shalt  }
0x76: {  	_ =	shalt  }
0x77: {  	_ =	shalt  }
0x78: {  	_ =	shalt  }
0x79: {  	_ =	shalt  }
0x7a: {  	_ =	shalt  }
0x7b: {  	_ =	shalt  }
0x7c: {  	_ =	shalt  }
0x7d: {  	_ =	shalt  }
0x7e: {  	_ =	shalt  }
0x7f: {  	_ =	shalt  }
0x80: {  	_ =	shalt  }
0x81: {  	_ =	shalt  }
0x82: {  	_ =	shalt  }
0x83: {  	_ =	shalt  }
0x84: {  	_ =	shalt  }
0x85: {  	_ =	shalt  }
0x86: {  	_ =	shalt  }
0x87: {  	_ =	shalt  }
.Lfunc_end0:
.L_simem_size_0:
called_computation_lowered:
.L_overlay_start_0:
0x88: {  	s2 =	sld [smem:$0x3FD9]  }
0x89: {  	s3 =	sld [smem:$0x3FFE];
	_ =	sdelay $0x1  }
0x8a: {  	s1 =	srdreg.scid  }
0x8b: {  	s0 =	sand.u32 $0x1, s1  }
0x8c: {  	s17 =	sshll.u32 s0, $0xA;
	s2 =	sadd.s32 s3, s2  }
0x8d: {  	s2 =	sadd.s32 s2, s17  }
0x8e: {  	[smem:$0x3FC5] =	sst s2  }
0x8f: {  	_ = 	snop  }
0x90: {  	s2 =	sld [smem:$0x3FC8];
	(tm) =	ssettm $0x1  }
0x91: {  	s18 =	sld [smem:$0x3FFB];
	_ =	sdelay $0x3  }
0x92: {  	_ =	strace s18  }
0x93: {  	s3 =	sld [smem:$0x3FFC];
	_ =	sdelay $0x3  }
0x94: {  	_ =	strace s3  }
0x95: {  	s3 =	sld [smem:$0x3FFD];
	_ =	sdelay $0x3  }
0x96: {  	_ =	strace s3  }
0x97: {  	_ =	strace $0x8FFFFFFF  }
0x98: {  	s19 =	sld [smem:$0x3FDB];
	_ =	sdelay $0x1  }
0x99: {  	s4 =	simm.s32 $_scs_section_size  }
0x9a: {  	s5 =	simm.s32 $_size__tile_overlayer_lowered;
	s6 =	simm.s32 $_tile_overlayer_lowered  }
0x9b: {  	s22 =	simm.s32 $0x1BFF;
	s21 =	sshll.u32 s6, $0x1;
	s3 =	sadd.s32 s4, s19  }
0x9c: {  	s7 =	simm.s32 $0x0;
	s20 =	sshll.u32 s5, $0x1;
	s5 =	sadd.s32 s21, s3  }
0x9d: {  	[timem:s7], [sflag:s22] =	dma.local [hbm:s5], s20  }
0x9e: {  	_ =	swait.ge [sflag:s22], s20  }
0x9f: {  	s4 =	ssub.s32 $0x0, s20;
	[sflag:s22] =	ssyncset.done $0x0  }
0xa0: {  	[sflag:s22] =	ssyncadd.s32 s4;
	_ =	sdelay $0x1  }
0xa1: {  	s23 =	simm.s32 $0x1B8B  }
0xa2: {  	_ =	swait.ge [sflag:s23], $0x1  }
0xa3: {  	[sflag:s23] =	ssyncset.done $0x0  }
0xa4: {  	s25 =	simm.s32 $0x1B8E;
	s24 =	sld [smem:$0x3FFE];
	[sflag:s23] =	ssyncadd.s32 $0xFFFFFFFF  }
0xa5: {  	s26 =	simm.s32 $execute0_lowered;
	[smem:$0x3FD2] =	sst s25  }
0xa6: {  	s5 =	sshll.u32 s26, $0x1;
	_ =	strace $0x80000046;
	[dreg:$0x1] =	wrdreg $0xFFFFFFFF  }
0xa7: {  	s28 =	simm.s32 $_size_execute0_lowered;
	s3 =	sadd.s32 s3, s5;
	[dreg:$0x0] =	wrdreg $0x0  }
0xa8: {  	s5 =	sshll.u32 s28, $0x1;
	[dreg:$0x2] =	wrdreg s3  }
0xa9: {  	[dreg:$0x3] =	wrdreg s5  }
0xaa: {  	[dreg:$0x4] =	wrdreg $0xC0  }
0xab: {  	_ =	task [dreg:s7], $0x5FFFF  }
0xac: {  	[dreg:$0x1] =	wrdreg $0xFFFFFFFF  }
0xad: {  	[dreg:$0x0] =	wrdreg $0x60  }
0xae: {  	[dreg:$0x2] =	wrdreg s2  }
0xaf: {  	[dreg:$0x3] =	wrdreg s24  }
0xb0: {  	[dreg:$0x4] =	wrdreg $0x9  }
0xb1: {  	_ =	task.clear_ibuf [dreg:s7], $0x5FFFF;
	_ =	strace $0x90000046  }
0xb2: {  	s29 =	simm.s32 $0x9;
	_ =	strace $0x80000048  }
0xb3: {  	_ =	swait.ge [sflag:s29], $0x1  }
0xb4: {  	[sflag:s29] =	ssyncadd.s32 $0xFFFFFFFF  }
0xb5: {  	_ =	strace $0x90000048  }
0xb6: {  	_ =	sfence  }
0xb7: {  	s30 =	sld [smem:$0x0];
	_ =	sdelay $0x2  }
0xb8: {  	s31 =	sshll.u32 s1, $0xD;
	s1 =	sshrl.u32 s1, $0x2  }
0xb9: {  	s3 =	sand.u32 $0x4000, s31;
	s1 =	sadd.s32 s1, s30  }
0xba: {  	s0 =	sor.u32 s3, s0;
	s1 =	sshll.u32 s1, $0x11  }
0xbb: {  	s0 =	sor.u32 s1, s0  }
0xbc: {  	s0 =	sadd.s32 $0x8F2B, s0  }
0xbd: {  	[sflag:s0] =	ssyncadd.remote.s32 $0x1  }
0xbe: {  	_ =	sfence.sel $0xFFFF  }
0xbf: {  	[dreg:$0x0] =	wrdreg $0xFFFFFFFF;
	(pc) =	sbr.abs _section_cstart, $3  }
0xc0: {  	[dreg:$0x1] =	wrdreg $0xFFFFFFFF  }
0xc1: {  	_ =	task.clear_ibuf [dreg:s7], $0x2FFFF;
	_ =	strace $0x9FFFFFFF  }
0xc2: {  	(tm) =	ssettm $0x7FFFFFFF  }
0xc3: {  	_ =	shalt  }
tec
execute0_lowered:
.L_overlay_start_1:
0x0: {  	(tag) =	ssettag $0x1  }
0x1: {  	s2 =	rddreg [dreg:$0x0]  }
0x2: {  	s1 =	srdreg.scid;
	s0 =	stileid.u32  }
0x3: {  	s5 =	rddreg [dreg:$0x1];
	s3 =	simm.s32 $0x0;
	s11 =	simm.s32 $0x3200  }
0x4: {  	s12 =	simm.s32 $0x1;
	s13 =	simm.s32 $0x2;
	s14 =	simm.s32 $0x3  }
0x5: {  	s15 =	simm.s32 $0x4;
	s6 =	sand.u32 $0x1, s1;
	s4 =	sshll.u32 s0, $0x1  }
0x6: {  	s16 =	simm.s32 $0x0;
	s1 =	rddreg [dreg:$0x2];
	s4 =	sor.u32 s6, s4  }
0x7: {  	[smem:$0x7FF] =	sst s3;
	s6 =	ssub.s32 $0x2, s6;
	s7 =	smul.u32 $0x3200, s4  }
0x8: {  	s5 =	sadd.s32 $0x1000, s5;
	s8 =	smul.u32 $0x640, s4;
	s9 =	sshrl.u32 s6, $0x1  }
0x9: {  	_ =	strace $0x80000047;
	s10 =	ssub.s32 s6, s9;
	s7 =	sshrl.u32 s7, $0x3  }
0xa: {  	s9 =	sor.u32 $0x60, s4;
	s6 =	sadd.s32 s2, s8;
	s7 =	sadd.s32 s2, s7  }
0xb: {  	s8 =	sor.u32 $0x40, s4;
	s10 =	smax.u32 s10, $0x1;
	s7 =	sadd.s32 $0xC800, s7  }
.LBB2_1:
0xc: {  	[tilespmem:s3], [sflag:$0x1] =	stream.linear.gather [hbm4b:s6+s3], $0x3200, $0x38;
	[tilespmem:$0x6400] =	vst v63  }
0xd: {  	s17 =	simm.s32 $0x0  }
0xe: {  	[tilespmem:s11], [sflag:$0x2] =	stream.linear.gather [hbm4b:s7+s3], $0x3200, $0x38;
	[tilespmem:$0x6400] =	vst v63  }
.LBB2_2:
0xf: {  	s18 =	sshll.u32 s17, $0x6  }
0x10: {  	s19 =	sor.u32 s4, s18  }
0x11: {  	s20 =	smul.u32 $0x1900, s19;
	_ =	sdelay $0x1  }
0x12: {  	_ =	swait.ge [sflag:s12], $0x3200;
	s21 =	simm.s32 $0x0;
	s20 =	sshrl.u32 s20, $0x3  }
0x13: {  	s22 =	simm.s32 $0x10;
	[sflag:s12] =	ssyncset.done $0x0;
	s20 =	sadd.s32 s5, s20  }
0x14: {  	s23 =	simm.s32 $0x100;
	[sflag:s12] =	ssyncadd.s32 $0xFFFFCE00;
	s24 =	sadd.s32 $0x0, s20  }
.LBB2_3:
0x15: {  	[hbm4b:s24+s3] =	stream.linear.scatter [tilespmem:s21], [sflag:$0x3], $0x80, $0x38;
	[tilespmem:$0x6400] =	vst v63  }
0x16: {  	s24 =	smov.u32 s22;
	s21 =	smov.u32 s23;
	p0 =	sne.s32 s22, $0x310  }
.Ltmp0:
0x17: {  	s22 =	sadd.s32 $0x10, s22;
	(pc) =	sbr.rel @p0 .LBB2_3-.Ltmp0, $2  }
0x18: {  	_ =	sdelay $0x2  }
0x19: {  	s23 =	sadd.s32 $0x100, s23;
	s24 =	sadd.s32 s24, s20  }
0x1a: {  	[hbm4b:s24+s3] =	stream.linear.scatter [tilespmem:s21], [sflag:$0x3], $0x80, $0x38;
	[tilespmem:$0x6400] =	vst v63  }
0x1b: {  	s20 =	sadd.s32 $0xC3500, s20;
	s21 =	simm.s32 $0x80  }
0x1c: {  	s22 =	simm.s32 $0x10;
	s23 =	simm.s32 $0x180;
	s24 =	sadd.s32 $0x0, s20  }
.LBB2_5:
0x1d: {  	[hbm4b:s24+s3] =	stream.linear.scatter [tilespmem:s21], [sflag:$0x3], $0x80, $0x38;
	[tilespmem:$0x6400] =	vst v63  }
0x1e: {  	s24 =	smov.u32 s22;
	s21 =	smov.u32 s23;
	p0 =	sne.s32 s22, $0x310  }
.Ltmp1:
0x1f: {  	s22 =	sadd.s32 $0x10, s22;
	(pc) =	sbr.rel @p0 .LBB2_5-.Ltmp1, $2  }
0x20: {  	_ =	sdelay $0x2  }
0x21: {  	s23 =	sadd.s32 $0x100, s23;
	s24 =	sadd.s32 s24, s20  }
0x22: {  	s19 =	sor.u32 $0x20, s19  }
0x23: {  	s19 =	smin.u32 s19, $0x3E7  }
0x24: {  	s19 =	smul.u32 $0x1900, s19  }
0x25: {  	[hbm4b:s24+s3] =	stream.linear.scatter [tilespmem:s21], [sflag:$0x3], $0x80, $0x38;
	[tilespmem:$0x6400] =	vst v63  }
0x26: {  	s20 =	simm.s32 $0x3200;
	_ =	swait.ge [sflag:s13], $0x3200;
	s19 =	sshrl.u32 s19, $0x3  }
0x27: {  	s21 =	simm.s32 $0x10;
	[sflag:s13] =	ssyncset.done $0x0;
	s19 =	sadd.s32 s5, s19  }
0x28: {  	s22 =	simm.s32 $0x3300;
	[sflag:s13] =	ssyncadd.s32 $0xFFFFCE00;
	s23 =	sadd.s32 $0x0, s19  }
.LBB2_7:
0x29: {  	[hbm4b:s23+s3] =	stream.linear.scatter [tilespmem:s20], [sflag:$0x4], $0x80, $0x38;
	[tilespmem:$0x6400] =	vst v63  }
0x2a: {  	s23 =	smov.u32 s21;
	s20 =	smov.u32 s22;
	p0 =	sne.s32 s21, $0x310  }
.Ltmp2:
0x2b: {  	s21 =	sadd.s32 $0x10, s21;
	(pc) =	sbr.rel @p0 .LBB2_7-.Ltmp2, $2  }
0x2c: {  	_ =	sdelay $0x2  }
0x2d: {  	s22 =	sadd.s32 $0x100, s22;
	s23 =	sadd.s32 s23, s19  }
0x2e: {  	[hbm4b:s23+s3] =	stream.linear.scatter [tilespmem:s20], [sflag:$0x4], $0x80, $0x38;
	[tilespmem:$0x6400] =	vst v63  }
0x2f: {  	s19 =	sadd.s32 $0xC3500, s19;
	s20 =	simm.s32 $0x3280  }
0x30: {  	s21 =	simm.s32 $0x10;
	s22 =	simm.s32 $0x3380;
	s23 =	sadd.s32 $0x0, s19  }
.LBB2_9:
0x31: {  	[hbm4b:s23+s3] =	stream.linear.scatter [tilespmem:s20], [sflag:$0x4], $0x80, $0x38;
	[tilespmem:$0x6400] =	vst v63  }
0x32: {  	s23 =	smov.u32 s21;
	s20 =	smov.u32 s22;
	p0 =	sne.s32 s21, $0x310  }
.Ltmp3:
0x33: {  	s21 =	sadd.s32 $0x10, s21;
	(pc) =	sbr.rel @p0 .LBB2_9-.Ltmp3, $2  }
0x34: {  	_ =	sdelay $0x2  }
0x35: {  	s22 =	sadd.s32 $0x100, s22;
	s23 =	sadd.s32 s23, s19  }
0x36: {  	[hbm4b:s23+s3] =	stream.linear.scatter [tilespmem:s20], [sflag:$0x4], $0x80, $0x38;
	[tilespmem:$0x6400] =	vst v63  }
0x37: {  	_ =	swait.ge [sflag:s14], $0x1900  }
0x38: {  	s19 =	sadd.s32 s8, s18;
	[sflag:s14] =	ssyncset.done $0x0  }
0x39: {  	s19 =	smin.u32 s19, $0x3E7;
	[sflag:s14] =	ssyncadd.s32 $0xFFFFE700  }
0x3a: {  	s19 =	smul.u32 $0x640, s19;
	_ =	swait.ge [sflag:s14], $0x1900  }
0x3b: {  	[sflag:s14] =	ssyncset.done $0x0  }
0x3c: {  	s19 =	sadd.s32 s2, s19;
	[sflag:s14] =	ssyncadd.s32 $0xFFFFE700  }
0x3d: {  	[tilespmem:s3], [sflag:$0x1] =	stream.linear.gather [hbm4b:s19+s3], $0x3200, $0x38;
	[tilespmem:$0x6400] =	vst v63  }
0x3e: {  	s17 =	sadd.s32 $0x1, s17;
	_ =	swait.ge [sflag:s15], $0x1900  }
0x3f: {  	s31 =	sadd.s32 s9, s18;
	p0 =	sne.s32 s17, $0x10;
	[sflag:s15] =	ssyncset.done $0x0  }
.Ltmp4:
0x40: {  	s18 =	smin.u32 s31, $0x3E7;
	[sflag:s15] =	ssyncadd.s32 $0xFFFFE700;
	(pc) =	sbr.rel @p0 .LBB2_2-.Ltmp4, $4  }
0x41: {  	s18 =	smul.u32 $0x640, s18;
	_ =	swait.ge [sflag:s15], $0x1900  }
0x42: {  	[sflag:s15] =	ssyncset.done $0x0  }
0x43: {  	s18 =	sadd.s32 s2, s18;
	[sflag:s15] =	ssyncadd.s32 $0xFFFFE700  }
0x44: {  	[tilespmem:s11], [sflag:$0x2] =	stream.linear.gather [hbm4b:s18+s3], $0x3200, $0x38;
	[tilespmem:$0x6400] =	vst v63  }
0x45: {  	s16 =	sadd.s32 $0x1, s16  }
0x46: {  	_ =	swait.ge [sflag:s12], $0x3200;
	p0 =	sne.s32 s16, s10  }
.Ltmp5:
0x47: {  	[sflag:s12] =	ssyncset.done $0x0;
	(pc) =	sbr.rel @p0 .LBB2_1-.Ltmp5, $4  }
0x48: {  	[sflag:s12] =	ssyncadd.s32 $0xFFFFCE00  }
0x49: {  	_ =	swait.ge [sflag:s13], $0x3200  }
0x4a: {  	[sflag:s13] =	ssyncset.done $0x0  }
0x4b: {  	[sflag:s13] =	ssyncadd.s32 $0xFFFFCE00  }
0x4c: {  	_ =	sfence.sel $0x180000  }
0x4d: {  	[bflag:$0x0] =	sbarrier.arrive $0xFFFF  }
0x4e: {  	p0 =	sne.s32 s0, $0x0;
	_ =	strace $0x90000047  }
0x4f: {  	s0 =	sadd.s32 @!p0 $0x100000, s1;
	[bflag:$0x2] =	sbarrier.arrive $0xFFFF  }
0x50: {  	[sflag:s0] =	ssyncadd.tile.s32 @!p0 $0x1;
	_ =	shalt  }
.Lfunc_end2:
_tile_overlayer_lowered:
.L_overlay_start_2:
0x51: {  	(tag) =	ssettag $0x2  }
0x52: {  	s0 =	rddreg [dreg:$0x0];
	s2 =	stileid.u32  }
0x53: {  	s1 =	rddreg [dreg:$0x1];
	p0 =	sne.s32 s2, $0x0  }
0x54: {  	s3 =	rddreg [dreg:$0x2];
	[bflag:$0x3] =	sbarrier.arrive $0xFFFF;
	s2 =	simm.s32 @!p0 $0x1C05  }
0x55: {  	[timem:s3], [sflag:s2] =	dma.local @!p0 [hbm:s0], s1  }
0x56: {  	s0 =	simm.s32 @!p0 $0x5  }
0x57: {  	_ =	swait.ge @!p0 [sflag:s0], s1  }
0x58: {  	s1 =	ssub.s32 @!p0 $0x0, s1;
	[sflag:s0] =	ssyncset.done @!p0 $0x0  }
0x59: {  	[sflag:s0] =	ssyncadd.s32 @!p0 s1  }
0x5a: {  	[bflag:$0x3] =	sbarrier.arrive $0xFFFF  }
0x5b: {  	_ =	shalt  }

// kernel: kernel.7.cloned.1.call-start
scs
__scs_entry_jumppad:
0x0: {  	(pc) =	sbr.rel $0x88, $3  }
0x1: {  	(tag) =	ssettag $0x0;
	lr =	simm.s32 $0x1  }
0x2: {  	[smem:$0x3F9E] =	sst lr;
	_ =	strace $0xD0000000  }
0x3: {  	_ = 	snop  }
0x4: {  	_ = 	snop  }
0x5: {  	_ = 	snop  }
0x6: {  	_ = 	snop  }
0x7: {  	_ = 	snop  }
__scs_overlays_trampoline_lowered:
0x8: {  	[smem:$0x3FAD] =	sst s0  }
0x9: {  	[smem:$0x3FAE] =	sst s1  }
0xa: {  	[smem:$0x3FAF] =	sst s2  }
0xb: {  	[smem:$0x3FB0] =	sst s3  }
0xc: {  	[smem:$0x3FB1] =	sst s4  }
0xd: {  	[smem:$0x3FB2] =	sst s5  }
0xe: {  	[smem:$0x3FB3] =	sst s6  }
0xf: {  	[smem:$0x3FB4] =	sst s7  }
0x10: {  	[smem:$0x3FB5] =	sst s8  }
0x11: {  	[smem:$0x3FB6] =	sst s9;
	s0 =	simm.s32 @!p0 $0x0  }
0x12: {  	s1 =	sld [smem:$0x3F9C];
	s0 =	simm.s32 @p0 $0x1  }
0x13: {  	[smem:$0x3FB7] =	sst s0;
	s0 =	simm.s32 @!p1 $0x0  }
0x14: {  	s2 =	sld [smem:$0x3F9B];
	s0 =	simm.s32 @p1 $0x1  }
0x15: {  	[smem:$0x3FB8] =	sst s0;
	s0 =	simm.s32 @!p2 $0x0  }
0x16: {  	s3 =	sld [smem:$0x3FDB];
	s0 =	simm.s32 @p2 $0x1  }
0x17: {  	s4 =	simm.s32 $0x1BF5;
	[smem:$0x3FBA] =	sst s0  }
0x18: {  	s0 =	sld [smem:$0x3F9D];
	_ =	swait.ge [sflag:s4], $0x0  }
0x19: {  	s7 =	sld [smem:$0x3F9E]  }
0x1a: {  	s8 =	sadd.s32 $0xFFFFE003, lr  }
0x1b: {  	s9 =	sadd.s32 $0xFFFFFEF7, lr;
	s5 =	simm.s32 $0xFFFFFFFF;
	p2 =	slt.u32 s8, $0xFFFFF086  }
0x1c: {  	p1 =	slt.u32 s9, $0xF7A;
	s5 =	simm.s32 @!p2 $0x0  }
0x1d: {  	s5 =	simm.s32 @p1 $0x1;
	p0 =	seq.s32 s7, s2  }
0x1e: {  	s7 =	smul.u32 @!p0 $0xF7A, s2;
	p2 =	seq.s32 @!p0 s5, $0x0  }
0x1f: {  	s9 =	smul.u32 $0xF7A, s1;
	s8 =	simm.s32 @!p0 $0x1BF5;
	p2 =	por !p2, p0  }
0x20: {  	[sflag:s8] =	ssyncset.s32 @!p0 $0xFFFFF086;
	s6 =	sadd.s32 @!p0 s3, s7;
	s7 =	simm.s32 @!p0 $0x108  }
0x21: {  	s3 =	sadd.s32 s3, s9;
	s6 =	sadd.s32 @!p0 $0x88, s6;
	s7 =	simm.s32 @p2 $0x1082  }
0x22: {  	[simem:s7], [sflag:s8] =	dma.local @!p0 [hbm:s6], $0xF7A  }
0x23: {  	s9 =	sor.u32 $0xD0000000, s2;
	s6 =	simm.s32 $0x108;
	_ =	swait.ge @!p0 [sflag:s8], $0x0  }
0x24: {  	s3 =	sadd.s32 $0x88, s3;
	s6 =	simm.s32 @!p1 $0x1082;
	[sflag:s4] =	ssyncset.s32 $0xFFFFF086  }
0x25: {  	[simem:s6], [sflag:s4] =	dma.local [hbm:s3], $0xF7A  }
0x26: {  	[smem:$0x3F9E] =	sst s1;
	(tag) =	ssettag s2;
	_ =	strace s9  }
0x27: {  	s1 =	sld [smem:$0x3FAE]  }
0x28: {  	s2 =	sld [smem:$0x3FAF]  }
0x29: {  	s4 =	sld [smem:$0x3FB1]  }
0x2a: {  	p0 =	seq.s32 s5, $0x0;
	s5 =	sld [smem:$0x3FB2]  }
0x2b: {  	s6 =	sld [smem:$0x3FB3]  }
0x2c: {  	s7 =	sld [smem:$0x3FB4]  }
0x2d: {  	s3 =	simm.s32 $0x108;
	s8 =	sld [smem:$0x3FB5]  }
0x2e: {  	s3 =	simm.s32 @!p0 $0x1082;
	s9 =	sld [smem:$0x3FB6]  }
0x2f: {  	lr =	sadd.s32 s0, s3;
	s0 =	sld [smem:$0x3FAD]  }
0x30: {  	s3 =	sld [smem:$0x3FB0]  }
0x31: {  	[smem:$0x3FB9] =	sst s10  }
0x32: {  	s10 =	sld [smem:$0x3FB7];
	_ =	sdelay $0x3  }
0x33: {  	p0 =	seq.s32 s10, $0x1;
	s10 =	sld [smem:$0x3FB9];
	_ =	sdelay $0x3  }
0x34: {  	[smem:$0x3FB9] =	sst s10  }
0x35: {  	s10 =	sld [smem:$0x3FB8];
	_ =	sdelay $0x3  }
0x36: {  	p1 =	seq.s32 s10, $0x1;
	s10 =	sld [smem:$0x3FB9];
	_ =	sdelay $0x3  }
0x37: {  	[smem:$0x3FB9] =	sst s10  }
0x38: {  	s10 =	sld [smem:$0x3FBA]  }
0x39: {  	_ = 	snop;
	(pc) =	sbr.ind lr, $3  }
0x3a: {  	_ = 	snop  }
0x3b: {  	_ = 	snop  }
0x3c: {  	p2 =	seq.s32 s10, $0x1;
	s10 =	sld [smem:$0x3FB9]  }
0x3d: {  	_ =	shalt  }
0x3e: {  	_ =	shalt  }
0x3f: {  	_ =	shalt  }
0x40: {  	_ =	shalt  }
0x41: {  	_ =	shalt  }
0x42: {  	_ =	shalt  }
0x43: {  	_ =	shalt  }
0x44: {  	_ =	shalt  }
0x45: {  	_ =	shalt  }
0x46: {  	_ =	shalt  }
0x47: {  	_ =	shalt  }
0x48: {  	_ =	shalt  }
0x49: {  	_ =	shalt  }
0x4a: {  	_ =	shalt  }
0x4b: {  	_ =	shalt  }
0x4c: {  	_ =	shalt  }
0x4d: {  	_ =	shalt  }
0x4e: {  	_ =	shalt  }
0x4f: {  	_ =	shalt  }
0x50: {  	_ =	shalt  }
0x51: {  	_ =	shalt  }
0x52: {  	_ =	shalt  }
0x53: {  	_ =	shalt  }
0x54: {  	_ =	shalt  }
0x55: {  	_ =	shalt  }
0x56: {  	_ =	shalt  }
0x57: {  	_ =	shalt  }
0x58: {  	_ =	shalt  }
0x59: {  	_ =	shalt  }
0x5a: {  	_ =	shalt  }
0x5b: {  	_ =	shalt  }
0x5c: {  	_ =	shalt  }
0x5d: {  	_ =	shalt  }
0x5e: {  	_ =	shalt  }
0x5f: {  	_ =	shalt  }
0x60: {  	_ =	shalt  }
0x61: {  	_ =	shalt  }
0x62: {  	_ =	shalt  }
0x63: {  	_ =	shalt  }
0x64: {  	_ =	shalt  }
0x65: {  	_ =	shalt  }
0x66: {  	_ =	shalt  }
0x67: {  	_ =	shalt  }
0x68: {  	_ =	shalt  }
0x69: {  	_ =	shalt  }
0x6a: {  	_ =	shalt  }
0x6b: {  	_ =	shalt  }
0x6c: {  	_ =	shalt  }
0x6d: {  	_ =	shalt  }
0x6e: {  	_ =	shalt  }
0x6f: {  	_ =	shalt  }
0x70: {  	_ =	shalt  }
0x71: {  	_ =	shalt  }
0x72: {  	_ =	shalt  }
0x73: {  	_ =	shalt  }
0x74: {  	_ =	shalt  }
0x75: {  	_ =	shalt  }
0x76: {  	_ =	shalt  }
0x77: {  	_ =	shalt  }
0x78: {  	_ =	shalt  }
0x79: {  	_ =	shalt  }
0x7a: {  	_ =	shalt  }
0x7b: {  	_ =	shalt  }
0x7c: {  	_ =	shalt  }
0x7d: {  	_ =	shalt  }
0x7e: {  	_ =	shalt  }
0x7f: {  	_ =	shalt  }
0x80: {  	_ =	shalt  }
0x81: {  	_ =	shalt  }
0x82: {  	_ =	shalt  }
0x83: {  	_ =	shalt  }
0x84: {  	_ =	shalt  }
0x85: {  	_ =	shalt  }
0x86: {  	_ =	shalt  }
0x87: {  	_ =	shalt  }
.Lfunc_end0:
.L_simem_size_0:
called_computation.1_lowered:
.L_overlay_start_0:
0x88: {  	s2 =	sld [smem:$0x3FD9]  }
0x89: {  	s3 =	sld [smem:$0x3FFE];
	_ =	sdelay $0x1  }
0x8a: {  	s1 =	srdreg.scid  }
0x8b: {  	s0 =	sand.u32 $0x1, s1  }
0x8c: {  	s14 =	sshll.u32 s0, $0xA;
	s2 =	sadd.s32 s3, s2  }
0x8d: {  	s2 =	sadd.s32 s2, s14  }
0x8e: {  	[smem:$0x3FC5] =	sst s2  }
0x8f: {  	_ = 	snop  }
0x90: {  	s2 =	sld [smem:$0x3FD0];
	_ =	sdelay $0x2  }
0x91: {  	s15 =	simm.s32 $0xA;
	s4 =	simm.s32 $0x10  }
0x92: {  	[smem:s4], [sflag:s15] =	dma.local [hbm:s2], $0x1  }
0x93: {  	_ =	swait.eq [sflag:s15], $0x1  }
0x94: {  	[sflag:s15] =	ssyncset.done $0x0  }
0x95: {  	s16 =	sld [smem:$0x10];
	[sflag:s15] =	ssyncadd.s32 $0xFFFFFFFF  }
0x96: {  	s17 =	sld [smem:$0x11];
	(tm) =	ssettm $0x1  }
0x97: {  	s18 =	sld [smem:$0x3FFB];
	_ =	sdelay $0x3  }
0x98: {  	_ =	strace s18  }
0x99: {  	s4 =	sld [smem:$0x3FFC];
	_ =	sdelay $0x3  }
0x9a: {  	_ =	strace s4  }
0x9b: {  	s4 =	sld [smem:$0x3FFD];
	_ =	sdelay $0x3  }
0x9c: {  	_ =	strace s4  }
0x9d: {  	_ =	strace $0x8FFFFFFF  }
0x9e: {  	s19 =	sld [smem:$0x3FDB];
	_ =	sdelay $0x1  }
0x9f: {  	s5 =	simm.s32 $_scs_section_size  }
0xa0: {  	s6 =	simm.s32 $_size__tile_overlayer_lowered;
	s7 =	simm.s32 $_tile_overlayer_lowered  }
0xa1: {  	s22 =	simm.s32 $0x1BFF;
	s21 =	sshll.u32 s7, $0x1;
	s4 =	sadd.s32 s5, s19  }
0xa2: {  	s8 =	simm.s32 $0x0;
	s20 =	sshll.u32 s6, $0x1;
	s6 =	sadd.s32 s21, s4  }
0xa3: {  	[timem:s8], [sflag:s22] =	dma.local [hbm:s6], s20  }
0xa4: {  	_ =	swait.ge [sflag:s22], s20  }
0xa5: {  	s5 =	ssub.s32 $0x0, s20;
	[sflag:s22] =	ssyncset.done $0x0  }
0xa6: {  	[sflag:s22] =	ssyncadd.s32 s5;
	_ =	sdelay $0x1  }
0xa7: {  	s23 =	simm.s32 $0x1B8B  }
0xa8: {  	_ =	swait.ge [sflag:s23], $0x1  }
0xa9: {  	[sflag:s23] =	ssyncset.done $0x0  }
0xaa: {  	s25 =	simm.s32 $0x1B8E;
	s24 =	sld [smem:$0x3FFE];
	[sflag:s23] =	ssyncadd.s32 $0xFFFFFFFF  }
0xab: {  	s26 =	simm.s32 $execute0_lowered;
	[smem:$0x3FD2] =	sst s25  }
0xac: {  	s6 =	sshll.u32 s26, $0x1;
	_ =	strace $0x80000049;
	[dreg:$0x1] =	wrdreg $0xFFFFFFFF  }
0xad: {  	s28 =	simm.s32 $_size_execute0_lowered;
	s4 =	sadd.s32 s4, s6;
	[dreg:$0x0] =	wrdreg $0x0  }
0xae: {  	s6 =	sshll.u32 s28, $0x1;
	[dreg:$0x2] =	wrdreg s4  }
0xaf: {  	[dreg:$0x3] =	wrdreg s6  }
0xb0: {  	[dreg:$0x4] =	wrdreg $0xC0  }
0xb1: {  	_ =	task [dreg:s8], $0x5FFFF  }
0xb2: {  	[dreg:$0x1] =	wrdreg $0xFFFFFFFF  }
0xb3: {  	[dreg:$0x0] =	wrdreg $0x60  }
0xb4: {  	[dreg:$0x2] =	wrdreg s17  }
0xb5: {  	[dreg:$0x3] =	wrdreg s24  }
0xb6: {  	[dreg:$0x4] =	wrdreg s16  }
0xb7: {  	[dreg:$0x5] =	wrdreg $0x9  }
0xb8: {  	_ =	task.clear_ibuf [dreg:s8], $0x6FFFF;
	_ =	strace $0x90000049  }
0xb9: {  	s29 =	simm.s32 $0x9;
	_ =	strace $0x8000004B  }
0xba: {  	_ =	swait.ge [sflag:s29], $0x1  }
0xbb: {  	[sflag:s29] =	ssyncadd.s32 $0xFFFFFFFF  }
0xbc: {  	_ =	strace $0x9000004B  }
0xbd: {  	_ =	sfence  }
0xbe: {  	s30 =	sld [smem:$0x0];
	_ =	sdelay $0x2  }
0xbf: {  	s31 =	sshll.u32 s1, $0xD;
	s1 =	sshrl.u32 s1, $0x2  }
0xc0: {  	s3 =	sand.u32 $0x4000, s31;
	s1 =	sadd.s32 s1, s30  }
0xc1: {  	s0 =	sor.u32 s3, s0;
	s1 =	sshll.u32 s1, $0x11  }
0xc2: {  	s0 =	sor.u32 s1, s0  }
0xc3: {  	s0 =	sadd.s32 $0x8F2B, s0  }
0xc4: {  	[sflag:s0] =	ssyncadd.remote.s32 $0x1  }
0xc5: {  	_ =	sfence.sel $0xFFFF  }
0xc6: {  	[dreg:$0x0] =	wrdreg $0xFFFFFFFF;
	(pc) =	sbr.abs _section_cstart, $3  }
0xc7: {  	[dreg:$0x1] =	wrdreg $0xFFFFFFFF  }
0xc8: {  	_ =	task.clear_ibuf [dreg:s8], $0x2FFFF;
	_ =	strace $0x9FFFFFFF  }
0xc9: {  	(tm) =	ssettm $0x7FFFFFFF  }
tec
execute0_lowered:
.L_overlay_start_1:
0x0: {  	(tag) =	ssettag $0x1  }
0x1: {  	s1 =	rddreg [dreg:$0x0]  }
0x2: {  	s0 =	rddreg [dreg:$0x1]  }
0x3: {  	s4 =	simm.s32 $0x0;
	s2 =	srdreg.scid;
	s3 =	stileid.u32  }
0x4: {  	s28 =	simm.s32 $0x9C70;
	s29 =	simm.s32 $0x2;
	s30 =	simm.s32 $0x5DF0  }
0x5: {  	s31 =	simm.s32 $0xDAF0;
	s15 =	simm.s32 $0x4;
	[smem:$0x7FF] =	sst s4  }
0x6: {  	s2 =	sand.u32 $0x1, s2;
	s5 =	sadd.s32 $0x1000, s0;
	s6 =	sadd.s32 $0x187A00, s0  }
0x7: {  	s3 =	sshll.u32 s3, $0x1;
	s8 =	sadd.s32 $0x187C00, s0;
	s9 =	sadd.s32 $0x24B200, s0  }
0x8: {  	s10 =	sadd.s32 $0x30E800, s0;
	s3 =	sor.u32 s2, s3;
	s19 =	ssub.s32 $0x2, s2  }
0x9: {  	_ =	strace $0x8000004A;
	s18 =	smul.u32 $0x30D40, s3;
	s21 =	sshrl.u32 s19, $0x1  }
0xa: {  	[dreg:$0x4] =	wrdreg s6;
	s6 =	simm.s32 $0x0;
	s0 =	ssub.s32 s19, s21  }
0xb: {  	s21 =	simm.s32 $0xFD0;
	s20 =	sshrl.u32 s18, $0x3;
	s22 =	sadd.s32 $0x7D0, s18  }
0xc: {  	s25 =	sadd.s32 $0xFA0, s18;
	s16 =	smov.u32 s18;
	s26 =	sadd.s32 $0x1770, s18  }
0xd: {  	s0 =	smax.u32 s0, $0x1;
	s7 =	sadd.s32 s5, s20;
	[dreg:$0x9] =	wrdreg s25  }
0xe: {  	s17 =	smov.u32 s22;
	s2 =	sshrl.u32 s22, $0x3;
	[dreg:$0xa] =	wrdreg s26  }
0xf: {  	[dreg:$0xb] =	wrdreg s0;
	s20 =	simm.s32 $0x30;
	s22 =	simm.s32 $0x800  }
0x10: {  	s25 =	simm.s32 $0x7D0;
	s23 =	sadd.s32 $0xC3500, s7;
	[dreg:$0x5] =	wrdreg s7  }
0x11: {  	s26 =	simm.s32 $0x1F70;
	s2 =	sadd.s32 s5, s2;
	[dreg:$0x6] =	wrdreg s23  }
0x12: {  	v0 =	vlaneseq.u32;
	s0 =	simm.s32 $0x3;
	s24 =	sadd.s32 $0xC35FA, s7;
	[dreg:$0x7] =	wrdreg s2  }
0x13: {  	v0 =	vmul.u32 $0x8, v0;
	[dreg:$0x8] =	wrdreg s24;
	s23 =	simm.s32 $0x17A0;
	s24 =	simm.s32 $0x1  }
.LBB2_1:
0x14: {  	[dreg:$0xc] =	wrdreg s6  }
0x15: {  	s2 =	rddreg [dreg:$0x4];
	s12 =	simm.s32 $0x7  }
0x16: {  	[tilespmem:s4], [sflag:$0x7] =	stream.linear.gather [hbm4b:s2+s4], $0x30, $0x38;
	[tilespmem:$0x157F0] =	vst v63  }
0x17: {  	_ =	swait.ge [sflag:s12], $0x30  }
0x18: {  	[sflag:s12] =	ssyncset.done $0x0  }
0x19: {  	[sflag:s12] =	ssyncadd.s32 $0xFFFFFFD0  }
0x1a: {  	v1 =	vld [tilespmem:$0x0]  }
0x1b: {  	s13 =	rddreg [dreg:$0x5];
	v2 =	vld [tilespmem:$0x10]  }
0x1c: {  	v3 =	vld [tilespmem:$0x20];
	[tilespmem:s20], [sflag:$0x1] =	stream.linear.gather [hbm4b:s13+s4], $0x7D0, $0x38  }
0x1d: {  	s14 =	rddreg [dreg:$0x6]  }
0x1e: {  	[tilespmem:s21], [sflag:$0x1] =	stream.linear.gather [hbm4b:s14+s4], $0x7D0, $0x38;
	[tilespmem:$0x157F0] =	vst v63  }
0x1f: {  	s18 =	rddreg [dreg:$0x7]  }
0x20: {  	[tilespmem:s22], [sflag:$0x2] =	stream.linear.gather [hbm4b:s18+s4], $0x7D0, $0x38;
	[tilespmem:$0x157F0] =	vst v63  }
0x21: {  	s19 =	rddreg [dreg:$0x8]  }
0x22: {  	[tilespmem:s23], [sflag:$0x2] =	stream.linear.gather [hbm4b:s19+s4], $0x7D0, $0x38;
	[tilespmem:$0x157F0] =	vst v63  }
0x23: {  	_ =	swait.ge [sflag:s24], $0x7D0  }
0x24: {  	[sflag:s24] =	ssyncset.done $0x0  }
0x25: {  	[sflag:s24] =	ssyncadd.s32 $0xFFFFF830  }
0x26: {  	_ =	swait.ge [sflag:s24], $0x7D0  }
0x27: {  	[sflag:s24] =	ssyncset.done $0x0  }
0x28: {  	[sflag:s24] =	ssyncadd.s32 $0xFFFFF830  }
0x29: {  	[tilespmem:s26], [sflag:$0x3] =	stream.indirect.gather [hbm4b:s1+s25], $0x8, s20, s25, $0xb8;
	[tilespmem:$0x157F0] =	vst v63  }
0x2a: {  	s6 =	simm.s32 $0x0  }
0x2b: {  	[tilespmem:s28], [sflag:$0x3] =	stream.indirect.gather [hbm4b:s1+s25], $0x8, s21, s25, $0xb8;
	[tilespmem:$0x157F0] =	vst v63  }
.LBB2_2:
0x2c: {  	_ =	swait.ge [sflag:s29], $0x7D0  }
0x2d: {  	[sflag:s29] =	ssyncset.done $0x0  }
0x2e: {  	[sflag:s29] =	ssyncadd.s32 $0xFFFFF830  }
0x2f: {  	_ =	swait.ge [sflag:s29], $0x7D0  }
0x30: {  	[sflag:s29] =	ssyncset.done $0x0  }
0x31: {  	[sflag:s29] =	ssyncadd.s32 $0xFFFFF830  }
0x32: {  	[tilespmem:s30], [sflag:$0x4] =	stream.indirect.gather [hbm4b:s1+s25], $0x8, s22, s25, $0xb8;
	[tilespmem:$0x157F0] =	vst v63  }
0x33: {  	_ = 	snop  }
0x34: {  	[tilespmem:s31], [sflag:$0x4] =	stream.indirect.gather [hbm4b:s1+s25], $0x8, s23, s25, $0xb8;
	[tilespmem:$0x157F0] =	vst v63  }
0x35: {  	_ =	swait.ge [sflag:s0], $0x3E80  }
0x36: {  	[sflag:s0] =	ssyncset.done $0x0  }
0x37: {  	[sflag:s0] =	ssyncadd.s32 $0xFFFFC180  }
0x38: {  	_ =	swait.ge [sflag:s0], $0x3E80  }
0x39: {  	p0 =	seq.s32 s6, $0x0;
	[sflag:s0] =	ssyncset.done $0x0  }
0x3a: {  	s2 =	simm.s32 @!p0 $0x5;
	[sflag:s0] =	ssyncadd.s32 $0xFFFFC180  }
0x3b: {  	_ =	swait.ge @!p0 [sflag:s2], $0x7D0  }
0x3c: {  	[sflag:s2] =	ssyncset.done @!p0 $0x0  }
0x3d: {  	[sflag:s2] =	ssyncadd.s32 @!p0 $0xFFFFF830  }
0x3e: {  	_ =	swait.ge @!p0 [sflag:s2], $0x7D0  }
0x3f: {  	[sflag:s2] =	ssyncset.done @!p0 $0x0  }
0x40: {  	[sflag:s2] =	ssyncadd.s32 @!p0 $0xFFFFF830  }
0x41: {  	_ =	swait.ge @!p0 [sflag:s2], $0x7D0  }
0x42: {  	s13 =	sshll.u32 s6, $0x1;
	[sflag:s2] =	ssyncset.done @!p0 $0x0  }
0x43: {  	s3 =	smin.u32 s13, $0x61;
	[sflag:s2] =	ssyncadd.s32 @!p0 $0xFFFFF830  }
0x44: {  	s7 =	simm.s32 $0x0;
	s3 =	smul.u32 $0x7D0, s3;
	_ =	swait.ge @!p0 [sflag:s2], $0x7D0  }
0x45: {  	v4 =	vmov s7;
	s11 =	rddreg [dreg:$0x9]  }
0x46: {  	v4 =	vshll.u32 v4, $0x3;
	s3 =	sadd.s32 s3, s11  }
0x47: {  	v4 =	vor.u32 v0, v4;
	[sflag:s2] =	ssyncset.done @!p0 $0x0;
	s3 =	sshrl.u32 s3, $0x3  }
0x48: {  	[sflag:s2] =	ssyncadd.s32 @!p0 $0xFFFFF830;
	s11 =	sadd.s32 s5, s3  }
0x49: {  	[tilespmem:s20], [sflag:$0x1] =	stream.linear.gather [hbm4b:s11+s7], $0x7D0, $0x38;
	[tilespmem:$0x157F0] =	vst v63  }
0x4a: {  	s2 =	sadd.s32 $0xC3500, s11  }
0x4b: {  	[tilespmem:s21], [sflag:$0x1] =	stream.linear.gather [hbm4b:s2+s7], $0x7D0, $0x38;
	[tilespmem:$0x157F0] =	vst v63  }
0x4c: {  	v5 =	vld.idx.msk [tilespmem:v4+s26+$0x0], $0xffff  }
0x4d: {  	v6 =	vld.idx.msk [tilespmem:v4+s28+$0x0], $0xffff;
	_ =	sdelay $0x4  }
0x4e: {  	v5 =	vsub.f32 v5, v6;
	_ =	sdelay $0x1  }
0x4f: {  	v6 =	vand.u32 $0x7FFFFFFF, v5  }
0x50: {  	v7 =	vsub.f32 v1, v6  }
0x51: {  	v8 =	vadd.f32 $9.999999930e-09, v5  }
0x52: {  	v7 =	vmin.f32 v7, v6  }
0x53: {  	v10 =	vor.u32 $0x1, v4;
	v8 =	vand.u32 $0x80000000, v8;
	v9 =	vand.u32 $0x7FFFFFFF, v7  }
0x54: {  	v11 =	vxor.u32 $0x80000000, v8;
	vm0 =	veq.f32 v9, v6  }
0x55: {  	v6 =	vsel vm0, v8, v11  }
0x56: {  	s14 =	simm.s32 $0x12910;
	v6 =	vxor.u32 v7, v6  }
0x57: {  	[tilespmem:s14+$0x0] =	vst v6  }
0x58: {  	v6 =	vld.idx.msk [tilespmem:v10+s26+$0x0], $0xffff  }
0x59: {  	v7 =	vld.idx.msk [tilespmem:v10+s28+$0x0], $0xffff;
	_ =	sdelay $0x4  }
0x5a: {  	v6 =	vsub.f32 v6, v7;
	_ =	sdelay $0x1  }
0x5b: {  	v7 =	vand.u32 $0x7FFFFFFF, v6  }
0x5c: {  	v8 =	vsub.f32 v2, v7  }
0x5d: {  	v57 =	vadd.f32 $9.999999930e-09, v6  }
0x5e: {  	v8 =	vmin.f32 v8, v7  }
0x5f: {  	v4 =	vor.u32 $0x2, v4;
	v9 =	vand.u32 $0x80000000, v57;
	v58 =	vand.u32 $0x7FFFFFFF, v8  }
0x60: {  	v59 =	vxor.u32 $0x80000000, v9;
	vm14 =	veq.f32 v58, v7  }
0x61: {  	v7 =	vsel vm14, v9, v59  }
0x62: {  	s18 =	simm.s32 $0x130E0;
	v7 =	vxor.u32 v8, v7  }
0x63: {  	[tilespmem:s18+$0x0] =	vst v7  }
0x64: {  	v7 =	vld.idx.msk [tilespmem:v4+s26+$0x0], $0xffff  }
0x65: {  	v4 =	vld.idx.msk [tilespmem:v4+s28+$0x0], $0xffff;
	_ =	sdelay $0x3  }
0x66: {  	v5 =	vadd.f32 $9.999999710e-10, v5  }
0x67: {  	v6 =	vadd.f32 $9.999999710e-10, v6;
	v4 =	vsub.f32 v7, v4;
	_ =	sdelay $0x1  }
0x68: {  	v5 =	vmul.f32 v5, v5;
	v6 =	vmul.f32 v6, v6;
	v7 =	vadd.f32 $9.999999710e-10, v4;
	_ =	sdelay $0x1  }
0x69: {  	v5 =	vadd.f32 v6, v5;
	v6 =	vmul.f32 v7, v7;
	_ =	sdelay $0x1  }
0x6a: {  	v5 =	vadd.f32 v6, v5;
	_ =	sdelay $0x1  }
0x6b: {  	v6 =	vshra.s32 v5, $0x1;
	v7 =	vmul.f32 $5.000000000e-01, v5  }
0x6c: {  	v6 =	vsub.s32 $0x5F3759DF, v6  }
0x6d: {  	v8 =	vmul.f32 v6, v7;
	_ =	sdelay $0x1  }
0x6e: {  	v8 =	vmul.f32 v6, v8;
	_ =	sdelay $0x1  }
0x6f: {  	v8 =	vsub.f32 $1.500000000e+00, v8;
	_ =	sdelay $0x1  }
0x70: {  	v60 =	vand.u32 $0x7FFFFFFF, v4;
	v6 =	vmul.f32 v6, v8  }
0x71: {  	v8 =	vsub.f32 v3, v60  }
0x72: {  	v4 =	vadd.f32 $9.999999930e-09, v4;
	v7 =	vmul.f32 v6, v7  }
0x73: {  	v8 =	vmin.f32 v8, v60  }
0x74: {  	v4 =	vand.u32 $0x80000000, v4;
	v61 =	vand.u32 $0x7FFFFFFF, v8;
	v7 =	vmul.f32 v7, v6  }
0x75: {  	s12 =	simm.s32 $0x10;
	v62 =	vxor.u32 $0x80000000, v4;
	vm15 =	veq.f32 v61, v60  }
0x76: {  	v63 =	vmov s12;
	v4 =	vsel vm15, v4, v62;
	v7 =	vsub.f32 $1.500000000e+00, v7  }
0x77: {  	s19 =	simm.s32 $0x138B0;
	s3 =	simm.s32 $0x20;
	v4 =	vxor.u32 v8, v4;
	v8 =	vshll.u32 v63, $0x3  }
0x78: {  	s11 =	simm.s32 $0x11980;
	s2 =	simm.s32 $0x11970;
	[tilespmem:s19+$0x0] =	vst v4;
	v4 =	vor.u32 v0, v8;
	s19 =	simm.s32 $0x138C0;
	v6 =	vmul.f32 v7, v6  }
.LBB2_3:
0x79: {  	s14 =	sadd.s32 $0x10, s14  }
0x7a: {  	s18 =	sadd.s32 $0x10, s18;
	s7 =	smov.u32 s3;
	s12 =	sadd.s32 $0x10, s3  }
0x7b: {  	p1 =	sne.s32 s3, $0x7C0;
	v5 =	vmul.f32 v6, v5;
	_ =	sdelay $0x1  }
0x7c: {  	[tilespmem:s2+$0x0] =	vst v5;
	s2 =	smov.u32 s11  }
0x7d: {  	v5 =	vld.idx.msk [tilespmem:v4+s26+$0x0], $0xffff  }
0x7e: {  	v6 =	vld.idx.msk [tilespmem:v4+s28+$0x0], $0xffff;
	_ =	sdelay $0x5  }
0x7f: {  	v5 =	vsub.f32 v5, v6;
	_ =	sdelay $0x1  }
0x80: {  	v6 =	vand.u32 $0x7FFFFFFF, v5;
	v7 =	vadd.f32 $9.999999930e-09, v5;
	v5 =	vadd.f32 $9.999999710e-10, v5  }
0x81: {  	v8 =	vsub.f32 v1, v6;
	_ =	sdelay $0x1  }
0x82: {  	v7 =	vand.u32 $0x80000000, v7;
	v8 =	vmin.f32 v8, v6  }
0x83: {  	v11 =	vor.u32 $0x1, v4;
	v10 =	vxor.u32 $0x80000000, v7;
	v9 =	vand.u32 $0x7FFFFFFF, v8  }
0x84: {  	vm0 =	veq.f32 v9, v6  }
0x85: {  	v6 =	vsel vm0, v7, v10  }
0x86: {  	v6 =	vxor.u32 v8, v6  }
0x87: {  	[tilespmem:s14+$0x0] =	vst v6  }
0x88: {  	v6 =	vld.idx.msk [tilespmem:v11+s26+$0x0], $0xffff  }
0x89: {  	v7 =	vld.idx.msk [tilespmem:v11+s28+$0x0], $0xffff;
	_ =	sdelay $0x5  }
0x8a: {  	v6 =	vsub.f32 v6, v7;
	_ =	sdelay $0x1  }
0x8b: {  	v7 =	vand.u32 $0x7FFFFFFF, v6;
	v8 =	vadd.f32 $9.999999930e-09, v6;
	v6 =	vadd.f32 $9.999999710e-10, v6  }
0x8c: {  	v9 =	vsub.f32 v2, v7  }
0x8d: {  	v8 =	vand.u32 $0x80000000, v8;
	v6 =	vmul.f32 v6, v6  }
0x8e: {  	v9 =	vmin.f32 v9, v7;
	v10 =	vxor.u32 $0x80000000, v8  }
0x8f: {  	v4 =	vor.u32 $0x2, v4;
	v11 =	vand.u32 $0x7FFFFFFF, v9  }
0x90: {  	vm0 =	veq.f32 v11, v7  }
0x91: {  	v7 =	vsel vm0, v8, v10  }
0x92: {  	v7 =	vxor.u32 v9, v7  }
0x93: {  	[tilespmem:s18+$0x0] =	vst v7  }
0x94: {  	v7 =	vld.idx.msk [tilespmem:v4+s26+$0x0], $0xffff  }
0x95: {  	v4 =	vld.idx.msk [tilespmem:v4+s28+$0x0], $0xffff;
	_ =	sdelay $0x4  }
0x96: {  	v5 =	vmul.f32 v5, v5  }
0x97: {  	v4 =	vsub.f32 v7, v4  }
0x98: {  	v5 =	vadd.f32 v6, v5  }
0x99: {  	v6 =	vand.u32 $0x7FFFFFFF, v4;
	v7 =	vadd.f32 $9.999999930e-09, v4;
	v4 =	vadd.f32 $9.999999710e-10, v4  }
0x9a: {  	v8 =	vsub.f32 v3, v6  }
0x9b: {  	v4 =	vmul.f32 v4, v4  }
0x9c: {  	v8 =	vmin.f32 v8, v6  }
0x9d: {  	v7 =	vand.u32 $0x80000000, v7;
	v9 =	vand.u32 $0x7FFFFFFF, v8;
	v5 =	vadd.f32 v4, v5  }
0x9e: {  	v4 =	vxor.u32 $0x80000000, v7;
	vm0 =	veq.f32 v9, v6  }
0x9f: {  	v4 =	vsel vm0, v7, v4;
	v6 =	vshra.s32 v5, $0x1;
	v7 =	vmul.f32 $5.000000000e-01, v5  }
0xa0: {  	v4 =	vxor.u32 v8, v4;
	v6 =	vsub.s32 $0x5F3759DF, v6  }
0xa1: {  	[tilespmem:s19+$0x0] =	vst v4;
	v4 =	vmul.f32 v6, v7;
	_ =	sdelay $0x1  }
0xa2: {  	v4 =	vmul.f32 v6, v4;
	_ =	sdelay $0x1  }
0xa3: {  	v4 =	vsub.f32 $1.500000000e+00, v4;
	_ =	sdelay $0x1  }
0xa4: {  	v6 =	vmul.f32 v6, v4;
	_ =	sdelay $0x1  }
0xa5: {  	v4 =	vmul.f32 v6, v7;
	_ =	sdelay $0x1  }
.Ltmp0:
0xa6: {  	v4 =	vmul.f32 v4, v6;
	(pc) =	sbr.rel @p1 .LBB2_3-.Ltmp0, $4  }
0xa7: {  	_ = 	snop  }
0xa8: {  	v7 =	vmov s7;
	v8 =	vsub.f32 $1.500000000e+00, v4  }
0xa9: {  	v4 =	vshll.u32 v7, $0x3  }
0xaa: {  	s3 =	smov.u32 s12;
	s11 =	sadd.s32 $0x10, s11;
	s19 =	sadd.s32 $0x10, s19;
	v4 =	vor.u32 v0, v4;
	v6 =	vmul.f32 v8, v6  }
0xab: {  	_ = 	snop  }
0xac: {  	v5 =	vmul.f32 v6, v5;
	_ =	sdelay $0x1  }
0xad: {  	[tilespmem:s2+$0x0] =	vst v5  }
0xae: {  	v5 =	vld.idx.msk [tilespmem:v4+s26+$0x0], $0xffff  }
0xaf: {  	v6 =	vld.idx.msk [tilespmem:v4+s28+$0x0], $0xffff;
	_ =	sdelay $0x4  }
0xb0: {  	v5 =	vsub.f32 v5, v6;
	_ =	sdelay $0x1  }
0xb1: {  	v6 =	vand.u32 $0x7FFFFFFF, v5  }
0xb2: {  	v7 =	vsub.f32 v1, v6  }
0xb3: {  	v8 =	vadd.f32 $9.999999930e-09, v5  }
0xb4: {  	v7 =	vmin.f32 v7, v6  }
0xb5: {  	v10 =	vor.u32 $0x1, v4;
	v8 =	vand.u32 $0x80000000, v8;
	v9 =	vand.u32 $0x7FFFFFFF, v7  }
0xb6: {  	v11 =	vxor.u32 $0x80000000, v8;
	vm0 =	veq.f32 v9, v6  }
0xb7: {  	v6 =	vsel vm0, v8, v11  }
0xb8: {  	s3 =	sadd.s32 $0x10, s14;
	v6 =	vxor.u32 v7, v6  }
0xb9: {  	[tilespmem:s3+$0x0] =	vst v6  }
0xba: {  	v6 =	vld.idx.msk [tilespmem:v10+s26+$0x0], $0xffff  }
0xbb: {  	v7 =	vld.idx.msk [tilespmem:v10+s28+$0x0], $0xffff;
	_ =	sdelay $0x4  }
0xbc: {  	v6 =	vsub.f32 v6, v7;
	_ =	sdelay $0x1  }
0xbd: {  	v7 =	vand.u32 $0x7FFFFFFF, v6  }
0xbe: {  	v8 =	vsub.f32 v2, v7  }
0xbf: {  	v49 =	vadd.f32 $9.999999930e-09, v6  }
0xc0: {  	v8 =	vmin.f32 v8, v7  }
0xc1: {  	v4 =	vor.u32 $0x2, v4;
	v9 =	vand.u32 $0x80000000, v49;
	v50 =	vand.u32 $0x7FFFFFFF, v8  }
0xc2: {  	v51 =	vxor.u32 $0x80000000, v9;
	vm11 =	veq.f32 v50, v7  }
0xc3: {  	v7 =	vsel vm11, v9, v51  }
0xc4: {  	s7 =	sadd.s32 $0x10, s18;
	v7 =	vxor.u32 v8, v7  }
0xc5: {  	[tilespmem:s7+$0x0] =	vst v7  }
0xc6: {  	v7 =	vld.idx.msk [tilespmem:v4+s26+$0x0], $0xffff  }
0xc7: {  	v4 =	vld.idx.msk [tilespmem:v4+s28+$0x0], $0xffff;
	_ =	sdelay $0x3  }
0xc8: {  	v5 =	vadd.f32 $9.999999710e-10, v5  }
0xc9: {  	v6 =	vadd.f32 $9.999999710e-10, v6;
	v4 =	vsub.f32 v7, v4;
	_ =	sdelay $0x1  }
0xca: {  	v5 =	vmul.f32 v5, v5;
	v6 =	vmul.f32 v6, v6;
	v7 =	vadd.f32 $9.999999710e-10, v4;
	_ =	sdelay $0x1  }
0xcb: {  	v5 =	vadd.f32 v6, v5;
	v6 =	vmul.f32 v7, v7;
	_ =	sdelay $0x1  }
0xcc: {  	v5 =	vadd.f32 v6, v5;
	_ =	sdelay $0x1  }
0xcd: {  	v6 =	vshra.s32 v5, $0x1;
	v7 =	vmul.f32 $5.000000000e-01, v5  }
0xce: {  	v6 =	vsub.s32 $0x5F3759DF, v6  }
0xcf: {  	v8 =	vmul.f32 v6, v7;
	_ =	sdelay $0x1  }
0xd0: {  	v8 =	vmul.f32 v6, v8;
	_ =	sdelay $0x1  }
0xd1: {  	v8 =	vsub.f32 $1.500000000e+00, v8;
	_ =	sdelay $0x1  }
0xd2: {  	v6 =	vmul.f32 v6, v8;
	_ =	sdelay $0x1  }
0xd3: {  	v7 =	vmul.f32 v6, v7  }
0xd4: {  	v8 =	vand.u32 $0x7FFFFFFF, v4  }
0xd5: {  	v52 =	vsub.f32 v3, v8;
	v7 =	vmul.f32 v7, v6  }
0xd6: {  	v4 =	vadd.f32 $9.999999930e-09, v4  }
0xd7: {  	v9 =	vmin.f32 v52, v8;
	v7 =	vsub.f32 $1.500000000e+00, v7  }
0xd8: {  	v4 =	vand.u32 $0x80000000, v4;
	v53 =	vand.u32 $0x7FFFFFFF, v9  }
0xd9: {  	s14 =	smul.u32 $0xFA0, s6;
	vm12 =	veq.f32 v53, v8;
	v8 =	vxor.u32 $0x80000000, v4;
	v6 =	vmul.f32 v7, v6  }
0xda: {  	v4 =	vsel vm12, v4, v8  }
0xdb: {  	s12 =	sadd.s32 s16, s14;
	v4 =	vxor.u32 v9, v4;
	v5 =	vmul.f32 v6, v5  }
0xdc: {  	s2 =	sshrl.u32 s12, $0x3;
	s3 =	rddreg [dreg:$0x2];
	[tilespmem:s19+$0x0] =	vst v4  }
0xdd: {  	s3 =	sadd.s32 s3, s2;
	s7 =	simm.s32 $0x11970;
	[tilespmem:s11+$0x0] =	vst v5  }
0xde: {  	[hbm4b:s3+s4] =	stream.linear.scatter [tilespmem:s7], [sflag:$0x5], $0x7D0, $0x38;
	[tilespmem:$0x157F0] =	vst v63  }
0xdf: {  	s18 =	sadd.s32 s8, s2;
	s19 =	simm.s32 $0x12910  }
0xe0: {  	[hbm4b:s18+s4] =	stream.linear.scatter [tilespmem:s19], [sflag:$0x5], $0x7D0, $0x38;
	[tilespmem:$0x157F0] =	vst v63  }
0xe1: {  	s11 =	simm.s32 $0x130E0;
	s7 =	sadd.s32 s9, s2  }
0xe2: {  	[hbm4b:s7+s4] =	stream.linear.scatter [tilespmem:s11], [sflag:$0x5], $0x7D0, $0x38;
	[tilespmem:$0x157F0] =	vst v63  }
0xe3: {  	s12 =	simm.s32 $0x138B0;
	s2 =	sadd.s32 s10, s2  }
0xe4: {  	[hbm4b:s2+s4] =	stream.linear.scatter [tilespmem:s12], [sflag:$0x5], $0x7D0, $0x38;
	[tilespmem:$0x157F0] =	vst v63  }
0xe5: {  	_ =	swait.ge [sflag:s24], $0x7D0  }
0xe6: {  	[sflag:s24] =	ssyncset.done $0x0  }
0xe7: {  	[sflag:s24] =	ssyncadd.s32 $0xFFFFF830  }
0xe8: {  	_ =	swait.ge [sflag:s24], $0x7D0  }
0xe9: {  	[sflag:s24] =	ssyncset.done $0x0  }
0xea: {  	[sflag:s24] =	ssyncadd.s32 $0xFFFFF830  }
0xeb: {  	[tilespmem:s26], [sflag:$0x3] =	stream.indirect.gather [hbm4b:s1+s25], $0x8, s20, s25, $0xb8;
	[tilespmem:$0x157F0] =	vst v63  }
0xec: {  	_ = 	snop  }
0xed: {  	[tilespmem:s28], [sflag:$0x3] =	stream.indirect.gather [hbm4b:s1+s25], $0x8, s21, s25, $0xb8;
	[tilespmem:$0x157F0] =	vst v63  }
0xee: {  	_ =	swait.ge [sflag:s15], $0x3E80  }
0xef: {  	[sflag:s15] =	ssyncset.done $0x0  }
0xf0: {  	[sflag:s15] =	ssyncadd.s32 $0xFFFFC180  }
0xf1: {  	_ =	swait.ge [sflag:s15], $0x3E80  }
0xf2: {  	[sflag:s15] =	ssyncset.done $0x0  }
0xf3: {  	s2 =	simm.s32 @!p0 $0x6;
	[sflag:s15] =	ssyncadd.s32 $0xFFFFC180  }
0xf4: {  	_ =	swait.ge @!p0 [sflag:s2], $0x7D0  }
0xf5: {  	[sflag:s2] =	ssyncset.done @!p0 $0x0  }
0xf6: {  	[sflag:s2] =	ssyncadd.s32 @!p0 $0xFFFFF830  }
0xf7: {  	_ =	swait.ge @!p0 [sflag:s2], $0x7D0  }
0xf8: {  	[sflag:s2] =	ssyncset.done @!p0 $0x0  }
0xf9: {  	[sflag:s2] =	ssyncadd.s32 @!p0 $0xFFFFF830  }
0xfa: {  	_ =	swait.ge @!p0 [sflag:s2], $0x7D0  }
0xfb: {  	[sflag:s2] =	ssyncset.done @!p0 $0x0  }
0xfc: {  	s13 =	smin.u32 s13, $0x60;
	[sflag:s2] =	ssyncadd.s32 @!p0 $0xFFFFF830  }
0xfd: {  	s3 =	smul.u32 $0x7D0, s13;
	s18 =	simm.s32 $0x0;
	_ =	swait.ge @!p0 [sflag:s2], $0x7D0  }
0xfe: {  	v4 =	vmov s18;
	s19 =	rddreg [dreg:$0xa]  }
0xff: {  	v4 =	vshll.u32 v4, $0x3;
	s3 =	sadd.s32 s3, s19  }
0x100: {  	v4 =	vor.u32 v0, v4;
	[sflag:s2] =	ssyncset.done @!p0 $0x0;
	s3 =	sshrl.u32 s3, $0x3  }
0x101: {  	[sflag:s2] =	ssyncadd.s32 @!p0 $0xFFFFF830;
	s11 =	sadd.s32 s5, s3  }
0x102: {  	[tilespmem:s22], [sflag:$0x2] =	stream.linear.gather [hbm4b:s11+s18], $0x7D0, $0x38;
	[tilespmem:$0x157F0] =	vst v63  }
0x103: {  	s2 =	sadd.s32 $0xC3500, s11  }
0x104: {  	[tilespmem:s23], [sflag:$0x2] =	stream.linear.gather [hbm4b:s2+s18], $0x7D0, $0x38;
	[tilespmem:$0x157F0] =	vst v63  }
0x105: {  	v5 =	vld.idx.msk [tilespmem:v4+s30+$0x0], $0xffff  }
0x106: {  	v6 =	vld.idx.msk [tilespmem:v4+s31+$0x0], $0xffff;
	_ =	sdelay $0x4  }
0x107: {  	v5 =	vsub.f32 v5, v6;
	_ =	sdelay $0x1  }
0x108: {  	v6 =	vand.u32 $0x7FFFFFFF, v5  }
0x109: {  	v7 =	vsub.f32 v1, v6  }
0x10a: {  	v8 =	vadd.f32 $9.999999930e-09, v5  }
0x10b: {  	v7 =	vmin.f32 v7, v6  }
0x10c: {  	v55 =	vor.u32 $0x1, v4;
	v8 =	vand.u32 $0x80000000, v8;
	v54 =	vand.u32 $0x7FFFFFFF, v7  }
0x10d: {  	v56 =	vxor.u32 $0x80000000, v8;
	vm13 =	veq.f32 v54, v6  }
0x10e: {  	v6 =	vsel vm13, v8, v56  }
0x10f: {  	s13 =	simm.s32 $0x14080;
	v6 =	vxor.u32 v7, v6  }
0x110: {  	[tilespmem:s13+$0x0] =	vst v6  }
0x111: {  	v6 =	vld.idx.msk [tilespmem:v55+s30+$0x0], $0xffff  }
0x112: {  	v7 =	vld.idx.msk [tilespmem:v55+s31+$0x0], $0xffff;
	_ =	sdelay $0x4  }
0x113: {  	v6 =	vsub.f32 v6, v7;
	_ =	sdelay $0x1  }
0x114: {  	v7 =	vand.u32 $0x7FFFFFFF, v6  }
0x115: {  	v8 =	vsub.f32 v2, v7  }
0x116: {  	v57 =	vadd.f32 $9.999999930e-09, v6  }
0x117: {  	v8 =	vmin.f32 v8, v7  }
0x118: {  	v4 =	vor.u32 $0x2, v4;
	v9 =	vand.u32 $0x80000000, v57;
	v58 =	vand.u32 $0x7FFFFFFF, v8  }
0x119: {  	v59 =	vxor.u32 $0x80000000, v9;
	vm14 =	veq.f32 v58, v7  }
0x11a: {  	v7 =	vsel vm14, v9, v59  }
0x11b: {  	s18 =	simm.s32 $0x14850;
	v7 =	vxor.u32 v8, v7  }
0x11c: {  	[tilespmem:s18+$0x0] =	vst v7  }
0x11d: {  	v7 =	vld.idx.msk [tilespmem:v4+s30+$0x0], $0xffff  }
0x11e: {  	v4 =	vld.idx.msk [tilespmem:v4+s31+$0x0], $0xffff;
	_ =	sdelay $0x3  }
0x11f: {  	v5 =	vadd.f32 $9.999999710e-10, v5  }
0x120: {  	v6 =	vadd.f32 $9.999999710e-10, v6;
	v4 =	vsub.f32 v7, v4;
	_ =	sdelay $0x1  }
0x121: {  	v5 =	vmul.f32 v5, v5;
	v6 =	vmul.f32 v6, v6;
	v7 =	vadd.f32 $9.999999710e-10, v4;
	_ =	sdelay $0x1  }
0x122: {  	v5 =	vadd.f32 v6, v5;
	v6 =	vmul.f32 v7, v7;
	_ =	sdelay $0x1  }
0x123: {  	v5 =	vadd.f32 v6, v5;
	_ =	sdelay $0x1  }
0x124: {  	v6 =	vshra.s32 v5, $0x1;
	v7 =	vmul.f32 $5.000000000e-01, v5  }
0x125: {  	v6 =	vsub.s32 $0x5F3759DF, v6  }
0x126: {  	v8 =	vmul.f32 v6, v7;
	_ =	sdelay $0x1  }
0x127: {  	v8 =	vmul.f32 v6, v8;
	_ =	sdelay $0x1  }
0x128: {  	v8 =	vsub.f32 $1.500000000e+00, v8;
	_ =	sdelay $0x1  }
0x129: {  	v60 =	vand.u32 $0x7FFFFFFF, v4;
	v6 =	vmul.f32 v6, v8  }
0x12a: {  	v8 =	vsub.f32 v3, v60  }
0x12b: {  	v4 =	vadd.f32 $9.999999930e-09, v4;
	v7 =	vmul.f32 v6, v7  }
0x12c: {  	v8 =	vmin.f32 v8, v60  }
0x12d: {  	v4 =	vand.u32 $0x80000000, v4;
	v61 =	vand.u32 $0x7FFFFFFF, v8;
	v7 =	vmul.f32 v7, v6  }
0x12e: {  	s12 =	simm.s32 $0x10;
	v62 =	vxor.u32 $0x80000000, v4;
	vm15 =	veq.f32 v61, v60  }
0x12f: {  	v63 =	vmov s12;
	v4 =	vsel vm15, v4, v62;
	v7 =	vsub.f32 $1.500000000e+00, v7  }
0x130: {  	s12 =	simm.s32 $0x20;
	s19 =	simm.s32 $0x15020;
	v4 =	vxor.u32 v8, v4;
	v8 =	vshll.u32 v63, $0x3  }
0x131: {  	s11 =	simm.s32 $0x12150;
	s2 =	simm.s32 $0x12140;
	[tilespmem:s19+$0x0] =	vst v4;
	v4 =	vor.u32 v0, v8;
	s19 =	simm.s32 $0x15030;
	v6 =	vmul.f32 v7, v6  }
.LBB2_5:
0x132: {  	s13 =	sadd.s32 $0x10, s13  }
0x133: {  	s18 =	sadd.s32 $0x10, s18;
	s7 =	smov.u32 s12;
	s3 =	sadd.s32 $0x10, s12  }
0x134: {  	p0 =	sne.s32 s12, $0x7C0;
	v5 =	vmul.f32 v6, v5;
	_ =	sdelay $0x1  }
0x135: {  	[tilespmem:s2+$0x0] =	vst v5;
	s2 =	smov.u32 s11  }
0x136: {  	v5 =	vld.idx.msk [tilespmem:v4+s30+$0x0], $0xffff  }
0x137: {  	v6 =	vld.idx.msk [tilespmem:v4+s31+$0x0], $0xffff;
	_ =	sdelay $0x5  }
0x138: {  	v5 =	vsub.f32 v5, v6;
	_ =	sdelay $0x1  }
0x139: {  	v6 =	vand.u32 $0x7FFFFFFF, v5;
	v7 =	vadd.f32 $9.999999930e-09, v5;
	v5 =	vadd.f32 $9.999999710e-10, v5  }
0x13a: {  	v8 =	vsub.f32 v1, v6;
	_ =	sdelay $0x1  }
0x13b: {  	v7 =	vand.u32 $0x80000000, v7;
	v8 =	vmin.f32 v8, v6  }
0x13c: {  	v11 =	vor.u32 $0x1, v4;
	v10 =	vxor.u32 $0x80000000, v7;
	v9 =	vand.u32 $0x7FFFFFFF, v8  }
0x13d: {  	vm0 =	veq.f32 v9, v6  }
0x13e: {  	v6 =	vsel vm0, v7, v10  }
0x13f: {  	v6 =	vxor.u32 v8, v6  }
0x140: {  	[tilespmem:s13+$0x0] =	vst v6  }
0x141: {  	v6 =	vld.idx.msk [tilespmem:v11+s30+$0x0], $0xffff  }
0x142: {  	v7 =	vld.idx.msk [tilespmem:v11+s31+$0x0], $0xffff;
	_ =	sdelay $0x5  }
0x143: {  	v6 =	vsub.f32 v6, v7;
	_ =	sdelay $0x1  }
0x144: {  	v7 =	vand.u32 $0x7FFFFFFF, v6;
	v8 =	vadd.f32 $9.999999930e-09, v6;
	v6 =	vadd.f32 $9.999999710e-10, v6  }
0x145: {  	v9 =	vsub.f32 v2, v7  }
0x146: {  	v8 =	vand.u32 $0x80000000, v8;
	v6 =	vmul.f32 v6, v6  }
0x147: {  	v9 =	vmin.f32 v9, v7;
	v10 =	vxor.u32 $0x80000000, v8  }
0x148: {  	v4 =	vor.u32 $0x2, v4;
	v11 =	vand.u32 $0x7FFFFFFF, v9  }
0x149: {  	vm0 =	veq.f32 v11, v7  }
0x14a: {  	v7 =	vsel vm0, v8, v10  }
0x14b: {  	v7 =	vxor.u32 v9, v7  }
0x14c: {  	[tilespmem:s18+$0x0] =	vst v7  }
0x14d: {  	v7 =	vld.idx.msk [tilespmem:v4+s30+$0x0], $0xffff  }
0x14e: {  	v4 =	vld.idx.msk [tilespmem:v4+s31+$0x0], $0xffff;
	_ =	sdelay $0x4  }
0x14f: {  	v5 =	vmul.f32 v5, v5  }
0x150: {  	v4 =	vsub.f32 v7, v4  }
0x151: {  	v5 =	vadd.f32 v6, v5  }
0x152: {  	v6 =	vand.u32 $0x7FFFFFFF, v4;
	v7 =	vadd.f32 $9.999999930e-09, v4;
	v4 =	vadd.f32 $9.999999710e-10, v4  }
0x153: {  	v8 =	vsub.f32 v3, v6  }
0x154: {  	v4 =	vmul.f32 v4, v4  }
0x155: {  	v8 =	vmin.f32 v8, v6  }
0x156: {  	v7 =	vand.u32 $0x80000000, v7;
	v9 =	vand.u32 $0x7FFFFFFF, v8;
	v5 =	vadd.f32 v4, v5  }
0x157: {  	v4 =	vxor.u32 $0x80000000, v7;
	vm0 =	veq.f32 v9, v6  }
0x158: {  	v4 =	vsel vm0, v7, v4;
	v6 =	vshra.s32 v5, $0x1;
	v7 =	vmul.f32 $5.000000000e-01, v5  }
0x159: {  	v4 =	vxor.u32 v8, v4;
	v6 =	vsub.s32 $0x5F3759DF, v6  }
0x15a: {  	[tilespmem:s19+$0x0] =	vst v4;
	v4 =	vmul.f32 v6, v7;
	_ =	sdelay $0x1  }
0x15b: {  	v4 =	vmul.f32 v6, v4;
	_ =	sdelay $0x1  }
0x15c: {  	v4 =	vsub.f32 $1.500000000e+00, v4;
	_ =	sdelay $0x1  }
0x15d: {  	v6 =	vmul.f32 v6, v4;
	_ =	sdelay $0x1  }
0x15e: {  	v4 =	vmul.f32 v6, v7;
	_ =	sdelay $0x1  }
.Ltmp1:
0x15f: {  	v4 =	vmul.f32 v4, v6;
	(pc) =	sbr.rel @p0 .LBB2_5-.Ltmp1, $4  }
0x160: {  	_ = 	snop  }
0x161: {  	v7 =	vmov s7;
	v8 =	vsub.f32 $1.500000000e+00, v4  }
0x162: {  	v4 =	vshll.u32 v7, $0x3  }
0x163: {  	s12 =	smov.u32 s3;
	s11 =	sadd.s32 $0x10, s11;
	s19 =	sadd.s32 $0x10, s19;
	v4 =	vor.u32 v0, v4;
	v6 =	vmul.f32 v8, v6  }
0x164: {  	_ = 	snop  }
0x165: {  	v5 =	vmul.f32 v6, v5;
	_ =	sdelay $0x1  }
0x166: {  	[tilespmem:s2+$0x0] =	vst v5  }
0x167: {  	v5 =	vld.idx.msk [tilespmem:v4+s30+$0x0], $0xffff  }
0x168: {  	v51 =	vld.idx.msk [tilespmem:v4+s31+$0x0], $0xffff;
	_ =	sdelay $0x4  }
0x169: {  	v5 =	vsub.f32 v5, v51;
	_ =	sdelay $0x1  }
0x16a: {  	v6 =	vand.u32 $0x7FFFFFFF, v5  }
0x16b: {  	v7 =	vsub.f32 v1, v6  }
0x16c: {  	v8 =	vadd.f32 $9.999999930e-09, v5  }
0x16d: {  	v7 =	vmin.f32 v7, v6  }
0x16e: {  	v10 =	vor.u32 $0x1, v4;
	v8 =	vand.u32 $0x80000000, v8;
	v9 =	vand.u32 $0x7FFFFFFF, v7  }
0x16f: {  	v11 =	vxor.u32 $0x80000000, v8;
	vm0 =	veq.f32 v9, v6  }
0x170: {  	v6 =	vsel vm0, v8, v11  }
0x171: {  	s13 =	sadd.s32 $0x10, s13;
	v6 =	vxor.u32 v7, v6  }
0x172: {  	[tilespmem:s13+$0x0] =	vst v6  }
0x173: {  	v6 =	vld.idx.msk [tilespmem:v10+s30+$0x0], $0xffff  }
0x174: {  	v52 =	vld.idx.msk [tilespmem:v10+s31+$0x0], $0xffff;
	_ =	sdelay $0x4  }
0x175: {  	v6 =	vsub.f32 v6, v52;
	_ =	sdelay $0x1  }
0x176: {  	v7 =	vand.u32 $0x7FFFFFFF, v6  }
0x177: {  	v53 =	vsub.f32 v2, v7  }
0x178: {  	v54 =	vadd.f32 $9.999999930e-09, v6  }
0x179: {  	v8 =	vmin.f32 v53, v7  }
0x17a: {  	v4 =	vor.u32 $0x2, v4;
	v9 =	vand.u32 $0x80000000, v54;
	v55 =	vand.u32 $0x7FFFFFFF, v8  }
0x17b: {  	v56 =	vxor.u32 $0x80000000, v9;
	vm14 =	veq.f32 v55, v7  }
0x17c: {  	v7 =	vsel vm14, v9, v56  }
0x17d: {  	s3 =	sadd.s32 $0x10, s18;
	v7 =	vxor.u32 v8, v7  }
0x17e: {  	[tilespmem:s3+$0x0] =	vst v7  }
0x17f: {  	v7 =	vld.idx.msk [tilespmem:v4+s30+$0x0], $0xffff  }
0x180: {  	v4 =	vld.idx.msk [tilespmem:v4+s31+$0x0], $0xffff;
	_ =	sdelay $0x3  }
0x181: {  	v5 =	vadd.f32 $9.999999710e-10, v5  }
0x182: {  	v6 =	vadd.f32 $9.999999710e-10, v6;
	v4 =	vsub.f32 v7, v4;
	_ =	sdelay $0x1  }
0x183: {  	v5 =	vmul.f32 v5, v5;
	v6 =	vmul.f32 v6, v6;
	v7 =	vadd.f32 $9.999999710e-10, v4;
	_ =	sdelay $0x1  }
0x184: {  	v5 =	vadd.f32 v6, v5;
	v57 =	vmul.f32 v7, v7;
	_ =	sdelay $0x1  }
0x185: {  	v5 =	vadd.f32 v57, v5;
	_ =	sdelay $0x1  }
0x186: {  	v6 =	vshra.s32 v5, $0x1;
	v58 =	vmul.f32 $5.000000000e-01, v5  }
0x187: {  	v6 =	vsub.s32 $0x5F3759DF, v6  }
0x188: {  	v59 =	vmul.f32 v6, v58;
	_ =	sdelay $0x1  }
0x189: {  	v8 =	vmul.f32 v6, v59;
	_ =	sdelay $0x1  }
0x18a: {  	v8 =	vsub.f32 $1.500000000e+00, v8;
	_ =	sdelay $0x1  }
0x18b: {  	v6 =	vmul.f32 v6, v8;
	_ =	sdelay $0x1  }
0x18c: {  	v7 =	vmul.f32 v6, v58  }
0x18d: {  	v60 =	vand.u32 $0x7FFFFFFF, v4  }
0x18e: {  	v61 =	vsub.f32 v3, v60;
	v7 =	vmul.f32 v7, v6  }
0x18f: {  	v4 =	vadd.f32 $9.999999930e-09, v4  }
0x190: {  	v9 =	vmin.f32 v61, v60;
	v7 =	vsub.f32 $1.500000000e+00, v7  }
0x191: {  	v4 =	vand.u32 $0x80000000, v4;
	v62 =	vand.u32 $0x7FFFFFFF, v9  }
0x192: {  	v63 =	vxor.u32 $0x80000000, v4;
	vm15 =	veq.f32 v62, v60;
	v6 =	vmul.f32 v7, v6  }
0x193: {  	v4 =	vsel vm15, v4, v63  }
0x194: {  	s7 =	sadd.s32 s14, s17;
	v4 =	vxor.u32 v9, v4;
	v5 =	vmul.f32 v6, v5  }
0x195: {  	s2 =	sshrl.u32 s7, $0x3;
	s3 =	rddreg [dreg:$0x2];
	[tilespmem:s19+$0x0] =	vst v4  }
0x196: {  	s6 =	sadd.s32 $0x1, s6;
	s7 =	simm.s32 $0x12140;
	s3 =	sadd.s32 s3, s2;
	[tilespmem:s11+$0x0] =	vst v5  }
0x197: {  	[hbm4b:s3+s4] =	stream.linear.scatter [tilespmem:s7], [sflag:$0x6], $0x7D0, $0x38;
	[tilespmem:$0x157F0] =	vst v63  }
0x198: {  	p0 =	sne.s32 s6, $0x32;
	s12 =	sadd.s32 s8, s2;
	s13 =	simm.s32 $0x14080  }
0x199: {  	[hbm4b:s12+s4] =	stream.linear.scatter [tilespmem:s13], [sflag:$0x6], $0x7D0, $0x38;
	[tilespmem:$0x157F0] =	vst v63  }
.Ltmp2:
0x19a: {  	_ = 	snop;
	(pc) =	sbr.rel @p0 .LBB2_2-.Ltmp2, $4  }
0x19b: {  	s18 =	simm.s32 $0x14850;
	s14 =	sadd.s32 s9, s2  }
0x19c: {  	[hbm4b:s14+s4] =	stream.linear.scatter [tilespmem:s18], [sflag:$0x6], $0x7D0, $0x38;
	[tilespmem:$0x157F0] =	vst v63  }
0x19d: {  	s2 =	sadd.s32 s10, s2;
	s19 =	simm.s32 $0x15020  }
0x19e: {  	[hbm4b:s2+s4] =	stream.linear.scatter [tilespmem:s19], [sflag:$0x6], $0x7D0, $0x38;
	[tilespmem:$0x157F0] =	vst v63  }
0x19f: {  	_ =	swait.ge [sflag:s29], $0x7D0  }
0x1a0: {  	[sflag:s29] =	ssyncset.done $0x0  }
0x1a1: {  	[sflag:s29] =	ssyncadd.s32 $0xFFFFF830  }
0x1a2: {  	_ =	swait.ge [sflag:s29], $0x7D0  }
0x1a3: {  	[sflag:s29] =	ssyncset.done $0x0  }
0x1a4: {  	[sflag:s29] =	ssyncadd.s32 $0xFFFFF830  }
0x1a5: {  	_ =	swait.ge [sflag:s0], $0x3E80  }
0x1a6: {  	[sflag:s0] =	ssyncset.done $0x0  }
0x1a7: {  	[sflag:s0] =	ssyncadd.s32 $0xFFFFC180  }
0x1a8: {  	_ =	swait.ge [sflag:s0], $0x3E80  }
0x1a9: {  	[sflag:s0] =	ssyncset.done $0x0  }
0x1aa: {  	s2 =	simm.s32 $0x5;
	[sflag:s0] =	ssyncadd.s32 $0xFFFFC180  }
0x1ab: {  	_ =	swait.ge [sflag:s2], $0x7D0  }
0x1ac: {  	[sflag:s2] =	ssyncset.done $0x0  }
0x1ad: {  	[sflag:s2] =	ssyncadd.s32 $0xFFFFF830  }
0x1ae: {  	_ =	swait.ge [sflag:s2], $0x7D0  }
0x1af: {  	[sflag:s2] =	ssyncset.done $0x0  }
0x1b0: {  	[sflag:s2] =	ssyncadd.s32 $0xFFFFF830  }
0x1b1: {  	_ =	swait.ge [sflag:s2], $0x7D0  }
0x1b2: {  	[sflag:s2] =	ssyncset.done $0x0  }
0x1b3: {  	[sflag:s2] =	ssyncadd.s32 $0xFFFFF830  }
0x1b4: {  	_ =	swait.ge [sflag:s2], $0x7D0  }
0x1b5: {  	[sflag:s2] =	ssyncset.done $0x0  }
0x1b6: {  	s3 =	simm.s32 $0x6;
	[sflag:s2] =	ssyncadd.s32 $0xFFFFF830  }
0x1b7: {  	_ =	swait.ge [sflag:s3], $0x7D0  }
0x1b8: {  	[sflag:s3] =	ssyncset.done $0x0  }
0x1b9: {  	[sflag:s3] =	ssyncadd.s32 $0xFFFFF830  }
0x1ba: {  	_ =	swait.ge [sflag:s3], $0x7D0  }
0x1bb: {  	[sflag:s3] =	ssyncset.done $0x0  }
0x1bc: {  	[sflag:s3] =	ssyncadd.s32 $0xFFFFF830  }
0x1bd: {  	_ =	swait.ge [sflag:s3], $0x7D0  }
0x1be: {  	[sflag:s3] =	ssyncset.done $0x0  }
0x1bf: {  	[sflag:s3] =	ssyncadd.s32 $0xFFFFF830  }
0x1c0: {  	_ =	swait.ge [sflag:s3], $0x7D0  }
0x1c1: {  	s6 =	rddreg [dreg:$0xc]  }
0x1c2: {  	s19 =	rddreg [dreg:$0xb];
	s6 =	sadd.s32 $0x1, s6  }
0x1c3: {  	p0 =	sne.s32 s6, s19  }
.Ltmp3:
0x1c4: {  	_ = 	snop;
	(pc) =	sbr.rel @p0 .LBB2_1-.Ltmp3, $3  }
0x1c5: {  	_ =	sdelay $0x1  }
0x1c6: {  	[sflag:s3] =	ssyncset.done $0x0  }
0x1c7: {  	[sflag:s3] =	ssyncadd.s32 $0xFFFFF830  }
0x1c8: {  	_ =	sfence.sel $0x180000  }
0x1c9: {  	[bflag:$0x0] =	sbarrier.arrive $0xFFFF  }
0x1ca: {  	_ =	strace $0x9000004A  }
0x1cb: {  	s0 =	stileid.u32;
	[bflag:$0x2] =	sbarrier.arrive $0xFFFF  }
0x1cc: {  	p0 =	sne.s32 s0, $0x0;
	s0 =	rddreg [dreg:$0x3]  }
0x1cd: {  	s0 =	sadd.s32 @!p0 $0x100000, s0  }
0x1ce: {  	[sflag:s0] =	ssyncadd.tile.s32 @!p0 $0x1;
	_ =	shalt  }
.Lfunc_end2:
_tile_overlayer_lowered:
.L_overlay_start_2:
0x1cf: {  	(tag) =	ssettag $0x2  }
0x1d0: {  	s0 =	rddreg [dreg:$0x0];
	s2 =	stileid.u32  }
0x1d1: {  	s1 =	rddreg [dreg:$0x1];
	p0 =	sne.s32 s2, $0x0  }
0x1d2: {  	s3 =	rddreg [dreg:$0x2];
	[bflag:$0x3] =	sbarrier.arrive $0xFFFF;
	s2 =	simm.s32 @!p0 $0x1C07  }
0x1d3: {  	[timem:s3], [sflag:s2] =	dma.local @!p0 [hbm:s0], s1  }
0x1d4: {  	s0 =	simm.s32 @!p0 $0x7  }
0x1d5: {  	_ =	swait.ge @!p0 [sflag:s0], s1  }
0x1d6: {  	s1 =	ssub.s32 @!p0 $0x0, s1;
	[sflag:s0] =	ssyncset.done @!p0 $0x0  }
0x1d7: {  	[sflag:s0] =	ssyncadd.s32 @!p0 s1  }
0x1d8: {  	[bflag:$0x3] =	sbarrier.arrive $0xFFFF  }
0x1d9: {  	_ =	shalt  }

</sc_bundles>
